<compile_context>
chip_gen: v7x
topology: tpu7x:2x2x1
jax: 0.10.2.dev20260603
libtpu: 0.0.44.dev20260713+nightly
codegen_flags: <defaults>
</compile_context>

<pallas_src>
import jax
import jax.numpy as jnp
import numpy as np
from jax import lax
from jax.experimental import pallas as pl
from jax.experimental.pallas import tpu as pltpu
from jax.experimental.pallas import tpu_sc as plsc

B = 4
H = W = 192
C = 96
IN_PER_B = H * W * C
OUT_PER_B = 4 * IN_PER_B
TOTAL_IN = B * IN_PER_B
TOTAL_OUT = B * OUT_PER_B

NC = 2
NS = 16

CHUNKS_PER_B = 8
CHUNK = OUT_PER_B // CHUNKS_PER_B
ROUNDS_PER_B = CHUNKS_PER_B // NC
N_ROUNDS = B * ROUNDS_PER_B

ACC_SIZE = CHUNK
ZSLICE = ACC_SIZE // NS

SLICE = IN_PER_B // NS
WIN = 3072
N_WIN = SLICE // WIN
N_PAIR = N_WIN // 2
FLUSH = CHUNK // NS

_F_THIRD = np.float32(1.0 / 3.0)
_F_BIAS = np.float32(0.1)


def _body(upd_hbm, mask_hbm, zero_hbm, out_hbm,
          mask_a, mask_b, val_a, val_b, idx_a, idx_b, acc,
          sem_ev, sem_od, sem_sc):
    mask_bufs = (mask_a, mask_b)
    val_bufs = (val_a, val_b)
    idx_bufs = (idx_a, idx_b)
    core = lax.axis_index("c")
    s = lax.axis_index("s")
    iota16 = lax.iota(jnp.int32, 16)

    pltpu.sync_copy(zero_hbm.at[pl.ds(s * ZSLICE, ZSLICE)],
                    acc.at[pl.ds(s * ZSLICE, ZSLICE)])
    plsc.subcore_barrier()

    def round_body(rnd, _):
        b = rnd // ROUNDS_PER_B
        r = rnd - b * ROUNDS_PER_B
        chunk_base = (2 * r + core) * CHUNK
        cbv = [iota16 + (jnp.int32(cu) - chunk_base)
               for cu in range(0, 96, 16)]

        win0 = b * IN_PER_B + s * SLICE

        def in_copies(slot, w, sem):
            return (
                pltpu.make_async_copy(
                    mask_hbm.at[pl.ds(win0 + w * WIN, WIN)],
                    mask_bufs[slot], sem),
                pltpu.make_async_copy(
                    upd_hbm.at[pl.ds(win0 + w * WIN, WIN)],
                    val_bufs[slot], sem),
            )

        def fire_loads(slot, w, sem):
            for d in in_copies(slot, w, sem):
                d.start()

        def wait_loads(slot, w, sem):
            for d in in_copies(slot, w, sem):
                d.wait()

        def fire_scatters(slot):
            pltpu.async_copy(val_bufs[slot],
                             acc.at[idx_bufs[slot]],
                             sem_sc, add=True)

        def drain_scatters(slot):
            pltpu.make_async_copy(val_bufs[slot],
                                  acc.at[idx_bufs[slot]],
                                  sem_sc).wait()

        def compute(slot):
            mb = mask_bufs[slot]
            vb = val_bufs[slot]
            ib = idx_bufs[slot]

            @plsc.parallel_loop(0, WIN, 96)
            def g_body(o0):
                for u in range(6):
                    o = o0 + 16 * u
                    m = mb[pl.ds(o, 16)]
                    t2 = lax.shift_right_arithmetic(m, 5)
                    q = (t2.astype(jnp.float32) * _F_THIRD + _F_BIAS
                         ).astype(jnp.int32)
                    rel = q * 96 + cbv[u]
                    valid = (plsc.bitcast(rel, jnp.uint32)
                             < jnp.uint32(CHUNK))
                    ib[pl.ds(o, 16)] = jnp.where(valid, rel,
                                                 rel & jnp.int32(0xFFFFF))
                    vv = vb[pl.ds(o, 16)]
                    vb[pl.ds(o, 16)] = jnp.where(valid, vv,
                                                 jnp.float32(0.0))

        fire_loads(0, 0, sem_ev)

        def pair_body(p, _):
            w0 = 2 * p
            w1 = w0 + 1

            @pl.when(p > 0)
            def _():
                drain_scatters(1)
            fire_loads(1, w1, sem_od)
            wait_loads(0, w0, sem_ev)
            compute(0)
            fire_scatters(0)

            wait_loads(1, w1, sem_od)
            drain_scatters(0)

            @pl.when(p < N_PAIR - 1)
            def _():
                fire_loads(0, w0 + 2, sem_ev)
            compute(1)
            fire_scatters(1)
            return 0

        lax.fori_loop(0, N_PAIR, pair_body, 0)
        drain_scatters(1)
        plsc.subcore_barrier()

        out_base = b * OUT_PER_B + chunk_base + s * FLUSH
        pltpu.sync_copy(acc.at[pl.ds(s * FLUSH, FLUSH)],
                        out_hbm.at[pl.ds(out_base, FLUSH)])
        pltpu.sync_copy(zero_hbm.at[pl.ds(s * ZSLICE, ZSLICE)],
                        acc.at[pl.ds(s * ZSLICE, ZSLICE)])
        plsc.subcore_barrier()
        return 0

    lax.fori_loop(0, N_ROUNDS, round_body, 0)


def kernel(updates, mask):
    upd_flat = updates.reshape(TOTAL_IN) * np.float32(1.0)
    mask_flat = mask.astype(jnp.int32).reshape(TOTAL_IN) | np.int32(0)
    zeros = jnp.zeros((ACC_SIZE,), jnp.float32)
    mesh = plsc.VectorSubcoreMesh(core_axis_name="c", subcore_axis_name="s")
    out = pl.kernel(
        _body,
        out_type=jax.ShapeDtypeStruct((TOTAL_OUT,), jnp.float32),
        mesh=mesh,
        scratch_types=[
            pltpu.VMEM((WIN,), jnp.int32),
            pltpu.VMEM((WIN,), jnp.int32),
            pltpu.VMEM((WIN,), jnp.float32),
            pltpu.VMEM((WIN,), jnp.float32),
            pltpu.VMEM((WIN,), jnp.int32),
            pltpu.VMEM((WIN,), jnp.int32),
            pltpu.VMEM_SHARED((ACC_SIZE,), jnp.float32),
            pltpu.SemaphoreType.DMA,
            pltpu.SemaphoreType.DMA,
            pltpu.SemaphoreType.DMA,
        ],
    )(upd_flat, mask_flat, zeros)
    return out.reshape(B, 2 * H, 2 * W, C)

# --- scband reference (transcript-rebuilt; emitter-appended) ---
"""Pipeline reference for scband-max-unpooling2-d-80908593922393 (READ-ONLY COPY).

The authoritative reference and input builder live on the scoring server;
editing this copy changes nothing except your own understanding.
"""

import jax, jax.numpy as jnp
import numpy as np

SIZE = (2, 2)

def setup_inputs(seed: int = 0) -> dict:
    key = jax.random.key(seed)
    k1, k2 = jax.random.split(key)
    B, H, W, C = 4, 192, 192, 96
    oH, oW = H * SIZE[0], W * SIZE[1]
    updates = jax.random.normal(k1, (B, H, W, C), dtype=jnp.float32)
    mask = jax.random.randint(k2, (B, H, W, C), 0, oH * oW * C, dtype=jnp.int64)
    return {"updates": updates, "mask": mask}

def reference(updates, mask):
    # Faithful translation of MaxUnpooling2D.call with output_shape=None
    mask = mask.astype(jnp.int32)
    B, H, W, C = updates.shape
    oB, oH, oW, oC = B, H * SIZE[0], W * SIZE[1], C
    one_like_mask = jnp.ones_like(mask, dtype=jnp.int32)
    batch_range = jnp.arange(oB, dtype=jnp.int32).reshape(B, 1, 1, 1)
    b = one_like_mask * batch_range
    y = mask // (oW * oC)
    x = (mask // oC) % oW
    feature_range = jnp.arange(oC, dtype=jnp.int32)
    f = one_like_mask * feature_range
    values = updates.reshape(-1)
    # tf.scatter_nd accumulates duplicate indices -> scatter-add
    ret = jnp.zeros((oB, oH, oW, oC), dtype=updates.dtype).at[
        b.reshape(-1), y.reshape(-1), x.reshape(-1), f.reshape(-1)
    ].add(values)
    return ret

if __name__ == "__main__":
    import jax
    _d = setup_inputs()
    print(jax.jit(kernel)(*tuple(_d.values())))

</pallas_src>

<mosaic_0001>
#map = affine_map<(d0, d1) -> (0)>
module attributes {stable_mosaic.version = 14 : i64} {
  func.func @_body(%arg0: i32, %arg1: i32, %arg2: memref<14155776xf32, #tpu.memory_space<hbm>>, %arg3: memref<14155776xi32, #tpu.memory_space<hbm>>, %arg4: memref<1769472xf32, #tpu.memory_space<hbm>>, %arg5: memref<56623104xf32, #tpu.memory_space<hbm>>, %arg6: memref<3072xi32, #tpu.memory_space<vmem>>, %arg7: memref<3072xi32, #tpu.memory_space<vmem>>, %arg8: memref<3072xf32, #tpu.memory_space<vmem>>, %arg9: memref<3072xf32, #tpu.memory_space<vmem>>, %arg10: memref<3072xi32, #tpu.memory_space<vmem>>, %arg11: memref<3072xi32, #tpu.memory_space<vmem>>, %arg12: memref<1769472xf32, #tpu.memory_space<vmem_shared>>, %arg13: memref<!tpu.dma_semaphore, #tpu.memory_space<semaphore_mem>>, %arg14: memref<!tpu.dma_semaphore, #tpu.memory_space<semaphore_mem>>, %arg15: memref<!tpu.dma_semaphore, #tpu.memory_space<semaphore_mem>>) attributes {dimension_semantics = [#tpu.dimension_semantics<core_parallel>, #tpu.dimension_semantics<subcore_parallel>], iteration_bounds = array<i64: 2, 16>, scalar_prefetch = 0 : i64, scratch_operands = 10 : i64, tpu.core_type = #tpu.core_type<sc_vector_subcore>, window_params = [{transform_indices = #map}, {transform_indices = #map}, {transform_indices = #map}, {transform_indices = #map}]} {
    %iota3A = tpu.iota {dimensions = array<i32: 0>} : vector<16xi32>
    %mul3A = arith.constant 110592 : i32
    %mul3A_0 = arith.muli %arg1, %mul3A : i32
    %mul3A_1 = arith.constant 110592 : i32
    %mul3A_2 = arith.muli %arg1, %mul3A_1 : i32
    "tpu.region"() ({
      %run_scoped3A = tpu.sem_alloc : memref<!tpu.dma_semaphore, #tpu.memory_space<semaphore_mem>>
      %dma_start3A = tpu.memref_slice %arg12[%mul3A_2] : memref<1769472xf32, #tpu.memory_space<vmem_shared>> -> memref<110592xf32, #tpu.memory_space<vmem_shared>>
      %dma_start3A_9 = tpu.memref_slice %arg4[%mul3A_0] : memref<1769472xf32, #tpu.memory_space<hbm>> -> memref<110592xf32, #tpu.memory_space<hbm>>
      tpu.enqueue_dma source(%dma_start3A_9 : memref<110592xf32, #tpu.memory_space<hbm>>) target(%dma_start3A : memref<110592xf32, #tpu.memory_space<vmem_shared>>) target_semaphore(%run_scoped3A : memref<!tpu.dma_semaphore, #tpu.memory_space<semaphore_mem>>)
      %dma_wait3A = tpu.memref_slice %arg12[%mul3A_2] : memref<1769472xf32, #tpu.memory_space<vmem_shared>> -> memref<110592xf32, #tpu.memory_space<vmem_shared>>
      %dma_wait3A_10 = tpu.memref_slice %arg4[%mul3A_0] : memref<1769472xf32, #tpu.memory_space<hbm>> -> memref<110592xf32, #tpu.memory_space<hbm>>
      tpu.wait_dma2 semaphore(%run_scoped3A : memref<!tpu.dma_semaphore, #tpu.memory_space<semaphore_mem>>) src(%dma_wait3A_10 : memref<110592xf32, #tpu.memory_space<hbm>>) dst(%dma_wait3A : memref<110592xf32, #tpu.memory_space<vmem_shared>>)
      tpu.yield
    }) : () -> ()
    %barrier3A = arith.constant 0 : index
    tpu.barrier barrier_id(%barrier3A)
    %scan3A = arith.constant 0 : i32
    %scan3A_3 = arith.constant 0 : i32
    %scan3A_4 = arith.constant 16 : i32
    %scan3A_5 = arith.addi %scan3A_3, %scan3A_4 : i32
    %scan3A_6 = arith.constant 1 : i32
    %scan3A_7 = scf.for %scan3A_9 = %scan3A_3 to %scan3A_5 step %scan3A_6 iter_args(%scan3A_10 = %scan3A) -> (i32)  : i32 {
      %jit3A = arith.constant 4 : i32
      %div3A = arith.divsi %scan3A_9, %jit3A : i32
      %sign3A = arith.constant 0 : i32
      %sign3A_11 = arith.cmpi sgt, %scan3A_9, %sign3A : i32
      %sign3A_12 = arith.extui %sign3A_11 : i1 to i32
      %sign3A_13 = arith.constant 0 : i32
      %sign3A_14 = arith.cmpi slt, %scan3A_9, %sign3A_13 : i32
      %sign3A_15 = arith.extui %sign3A_14 : i1 to i32
      %sign3A_16 = arith.subi %sign3A_12, %sign3A_15 : i32
      %sign3A_17 = arith.constant 0 : i32
      %sign3A_18 = arith.cmpi sgt, %jit3A, %sign3A_17 : i32
      %sign3A_19 = arith.extui %sign3A_18 : i1 to i32
      %sign3A_20 = arith.constant 0 : i32
      %sign3A_21 = arith.cmpi slt, %jit3A, %sign3A_20 : i32
      %sign3A_22 = arith.extui %sign3A_21 : i1 to i32
      %sign3A_23 = arith.subi %sign3A_19, %sign3A_22 : i32
      %ne3A = arith.cmpi ne, %sign3A_16, %sign3A_23 : i32
      %rem3A = arith.remsi %scan3A_9, %jit3A : i32
      %ne3A_24 = arith.constant 0 : i32
      %ne3A_25 = arith.cmpi ne, %rem3A, %ne3A_24 : i32
      %and3A = arith.andi %ne3A, %ne3A_25 : i1
      %sub3A = arith.constant 1 : i32
      %sub3A_26 = arith.subi %div3A, %sub3A : i32
      %select_n3A = arith.select %and3A, %sub3A_26, %div3A : i32
      %mul3A_27 = arith.constant 4 : i32
      %mul3A_28 = arith.muli %select_n3A, %mul3A_27 : i32
      %sub3A_29 = arith.subi %scan3A_9, %mul3A_28 : i32
      %mul3A_30 = arith.constant 2 : i32
      %mul3A_31 = arith.muli %mul3A_30, %sub3A_29 : i32
      %add3A = arith.addi %mul3A_31, %arg0 : i32
      %mul3A_32 = arith.constant 1769472 : i32
      %mul3A_33 = arith.muli %add3A, %mul3A_32 : i32
      %sub3A_34 = arith.constant 0 : i32
      %sub3A_35 = arith.subi %sub3A_34, %mul3A_33 : i32
      %add3A_36 = vector.broadcast %sub3A_35 : i32 to vector<16xi32>
      %add3A_37 = arith.addi %iota3A, %add3A_36 : vector<16xi32>
      %sub3A_38 = arith.constant 16 : i32
      %sub3A_39 = arith.subi %sub3A_38, %mul3A_33 : i32
      %add3A_40 = vector.broadcast %sub3A_39 : i32 to vector<16xi32>
      %add3A_41 = arith.addi %iota3A, %add3A_40 : vector<16xi32>
      %sub3A_42 = arith.constant 32 : i32
      %sub3A_43 = arith.subi %sub3A_42, %mul3A_33 : i32
      %add3A_44 = vector.broadcast %sub3A_43 : i32 to vector<16xi32>
      %add3A_45 = arith.addi %iota3A, %add3A_44 : vector<16xi32>
      %sub3A_46 = arith.constant 48 : i32
      %sub3A_47 = arith.subi %sub3A_46, %mul3A_33 : i32
      %add3A_48 = vector.broadcast %sub3A_47 : i32 to vector<16xi32>
      %add3A_49 = arith.addi %iota3A, %add3A_48 : vector<16xi32>
      %sub3A_50 = arith.constant 64 : i32
      %sub3A_51 = arith.subi %sub3A_50, %mul3A_33 : i32
      %add3A_52 = vector.broadcast %sub3A_51 : i32 to vector<16xi32>
      %add3A_53 = arith.addi %iota3A, %add3A_52 : vector<16xi32>
      %sub3A_54 = arith.constant 80 : i32
      %sub3A_55 = arith.subi %sub3A_54, %mul3A_33 : i32
      %add3A_56 = vector.broadcast %sub3A_55 : i32 to vector<16xi32>
      %add3A_57 = arith.addi %iota3A, %add3A_56 : vector<16xi32>
      %mul3A_58 = arith.constant 3538944 : i32
      %mul3A_59 = arith.muli %select_n3A, %mul3A_58 : i32
      %mul3A_60 = arith.constant 221184 : i32
      %mul3A_61 = arith.muli %arg1, %mul3A_60 : i32
      %add3A_62 = arith.addi %mul3A_59, %mul3A_61 : i32
      %add3A_63 = arith.constant 0 : i32
      %add3A_64 = arith.addi %add3A_62, %add3A_63 : i32
      %add3A_65 = arith.constant 0 : i32
      %add3A_66 = arith.addi %add3A_62, %add3A_65 : i32
      %dma_start3A = tpu.memref_slice %arg3[%add3A_64] : memref<14155776xi32, #tpu.memory_space<hbm>> -> memref<3072xi32, #tpu.memory_space<hbm>>
      %dma_start3A_67 = tpu.memref_slice %arg3[%add3A_64] : memref<14155776xi32, #tpu.memory_space<hbm>> -> memref<3072xi32, #tpu.memory_space<hbm>>
      tpu.enqueue_dma source(%dma_start3A_67 : memref<3072xi32, #tpu.memory_space<hbm>>) target(%arg6 : memref<3072xi32, #tpu.memory_space<vmem>>) target_semaphore(%arg13 : memref<!tpu.dma_semaphore, #tpu.memory_space<semaphore_mem>>)
      %dma_start3A_68 = tpu.memref_slice %arg2[%add3A_66] : memref<14155776xf32, #tpu.memory_space<hbm>> -> memref<3072xf32, #tpu.memory_space<hbm>>
      %dma_start3A_69 = tpu.memref_slice %arg2[%add3A_66] : memref<14155776xf32, #tpu.memory_space<hbm>> -> memref<3072xf32, #tpu.memory_space<hbm>>
      tpu.enqueue_dma source(%dma_start3A_69 : memref<3072xf32, #tpu.memory_space<hbm>>) target(%arg8 : memref<3072xf32, #tpu.memory_space<vmem>>) target_semaphore(%arg13 : memref<!tpu.dma_semaphore, #tpu.memory_space<semaphore_mem>>)
      %scan3A_70 = arith.constant 0 : i32
      %scan3A_71 = arith.constant 0 : i32
      %scan3A_72 = arith.constant 36 : i32
      %scan3A_73 = arith.addi %scan3A_71, %scan3A_72 : i32
      %scan3A_74 = arith.constant 1 : i32
      %scan3A_75 = scf.for %scan3A_93 = %scan3A_71 to %scan3A_73 step %scan3A_74 iter_args(%scan3A_94 = %scan3A_70) -> (i32)  : i32 {
        %mul3A_95 = arith.constant 2 : i32
        %mul3A_96 = arith.muli %mul3A_95, %scan3A_93 : i32
        %add3A_97 = arith.constant 1 : i32
        %add3A_98 = arith.addi %mul3A_96, %add3A_97 : i32
        %gt3A = arith.constant 0 : i32
        %gt3A_99 = arith.cmpi sgt, %scan3A_93, %gt3A : i32
        %convert_element_type3A = arith.extui %gt3A_99 : i1 to i32
        %cond3A = arith.constant 0 : i32
        %cond3A_100 = arith.cmpi ne, %convert_element_type3A, %cond3A : i32
        scf.if %cond3A_100 {
          %dma_wait3A_147 = arith.constant 0 : i32
          %dma_wait3A_148 = tpu.memref_slice %arg12[%dma_wait3A_147] : memref<1769472xf32, #tpu.memory_space<vmem_shared>> -> memref<1769472xf32, #tpu.memory_space<vmem_shared>>
          tpu.wait_indirect_dma semaphore(%arg15 : memref<!tpu.dma_semaphore, #tpu.memory_space<semaphore_mem>>) src(%arg9 : memref<3072xf32, #tpu.memory_space<vmem>>) dst(%dma_wait3A_148 : memref<1769472xf32, #tpu.memory_space<vmem_shared>>)
        } else {
        }
        %mul3A_101 = arith.constant 3072 : i32
        %mul3A_102 = arith.muli %add3A_98, %mul3A_101 : i32
        %add3A_103 = arith.addi %add3A_62, %mul3A_102 : i32
        %mul3A_104 = arith.constant 3072 : i32
        %mul3A_105 = arith.muli %add3A_98, %mul3A_104 : i32
        %add3A_106 = arith.addi %add3A_62, %mul3A_105 : i32
        %dma_start3A_107 = tpu.memref_slice %arg3[%add3A_103] : memref<14155776xi32, #tpu.memory_space<hbm>> -> memref<3072xi32, #tpu.memory_space<hbm>>
        %dma_start3A_108 = tpu.memref_slice %arg3[%add3A_103] : memref<14155776xi32, #tpu.memory_space<hbm>> -> memref<3072xi32, #tpu.memory_space<hbm>>
        tpu.enqueue_dma source(%dma_start3A_108 : memref<3072xi32, #tpu.memory_space<hbm>>) target(%arg7 : memref<3072xi32, #tpu.memory_space<vmem>>) target_semaphore(%arg14 : memref<!tpu.dma_semaphore, #tpu.memory_space<semaphore_mem>>)
        %dma_start3A_109 = tpu.memref_slice %arg2[%add3A_106] : memref<14155776xf32, #tpu.memory_space<hbm>> -> memref<3072xf32, #tpu.memory_space<hbm>>
        %dma_start3A_110 = tpu.memref_slice %arg2[%add3A_106] : memref<14155776xf32, #tpu.memory_space<hbm>> -> memref<3072xf32, #tpu.memory_space<hbm>>
        tpu.enqueue_dma source(%dma_start3A_110 : memref<3072xf32, #tpu.memory_space<hbm>>) target(%arg9 : memref<3072xf32, #tpu.memory_space<vmem>>) target_semaphore(%arg14 : memref<!tpu.dma_semaphore, #tpu.memory_space<semaphore_mem>>)
        %mul3A_111 = arith.constant 3072 : i32
        %mul3A_112 = arith.muli %mul3A_96, %mul3A_111 : i32
        %add3A_113 = arith.addi %add3A_62, %mul3A_112 : i32
        %mul3A_114 = arith.constant 3072 : i32
        %mul3A_115 = arith.muli %mul3A_96, %mul3A_114 : i32
        %add3A_116 = arith.addi %add3A_62, %mul3A_115 : i32
        %dma_wait3A_117 = tpu.memref_slice %arg3[%add3A_113] : memref<14155776xi32, #tpu.memory_space<hbm>> -> memref<3072xi32, #tpu.memory_space<hbm>>
        %dma_wait3A_118 = tpu.memref_slice %arg3[%add3A_113] : memref<14155776xi32, #tpu.memory_space<hbm>> -> memref<3072xi32, #tpu.memory_space<hbm>>
        tpu.wait_dma2 semaphore(%arg13 : memref<!tpu.dma_semaphore, #tpu.memory_space<semaphore_mem>>) src(%dma_wait3A_118 : memref<3072xi32, #tpu.memory_space<hbm>>) dst(%arg6 : memref<3072xi32, #tpu.memory_space<vmem>>)
        %dma_wait3A_119 = tpu.memref_slice %arg2[%add3A_116] : memref<14155776xf32, #tpu.memory_space<hbm>> -> memref<3072xf32, #tpu.memory_space<hbm>>
        %dma_wait3A_120 = tpu.memref_slice %arg2[%add3A_116] : memref<14155776xf32, #tpu.memory_space<hbm>> -> memref<3072xf32, #tpu.memory_space<hbm>>
        tpu.wait_dma2 semaphore(%arg13 : memref<!tpu.dma_semaphore, #tpu.memory_space<semaphore_mem>>) src(%dma_wait3A_120 : memref<3072xf32, #tpu.memory_space<hbm>>) dst(%arg8 : memref<3072xf32, #tpu.memory_space<vmem>>)
        %parallel_loop3A = arith.constant 0 : i32
        %parallel_loop3A_121 = arith.constant 3072 : i32
        %parallel_loop3A_122 = arith.constant 96 : i32
        scf.for %parallel_loop3A_147 = %parallel_loop3A to %parallel_loop3A_121 step %parallel_loop3A_122  : i32 {
          %parallel_loop3A_148 = arith.constant 0 : i32
          %parallel_loop3A_149 = arith.addi %parallel_loop3A_147, %parallel_loop3A_148 : i32
          %parallel_loop3A_150 = arith.index_cast %parallel_loop3A_149 : i32 to index
          %parallel_loop3A_151 = tpu.vector_load %arg6[%parallel_loop3A_150] {strides = array<i32>} : memref<3072xi32, #tpu.memory_space<vmem>>, vector<16xi32>,
          %parallel_loop3A_152 = vector.shape_cast %parallel_loop3A_151 : vector<16xi32> to vector<16xi32>
          %parallel_loop3A_153 = arith.constant 5 : i32
          %parallel_loop3A_154 = vector.broadcast %parallel_loop3A_153 : i32 to vector<16xi32>
          %parallel_loop3A_155 = arith.shrsi %parallel_loop3A_152, %parallel_loop3A_154 : vector<16xi32>
          %parallel_loop3A_156 = arith.sitofp %parallel_loop3A_155 : vector<16xi32> to vector<16xf32>
          %parallel_loop3A_157 = arith.constant 0.333333343 : f32
          %parallel_loop3A_158 = vector.broadcast %parallel_loop3A_157 : f32 to vector<16xf32>
          %parallel_loop3A_159 = arith.mulf %parallel_loop3A_156, %parallel_loop3A_158 : vector<16xf32>
          %parallel_loop3A_160 = arith.constant 1.000000e-01 : f32
          %parallel_loop3A_161 = vector.broadcast %parallel_loop3A_160 : f32 to vector<16xf32>
          %parallel_loop3A_162 = arith.addf %parallel_loop3A_159, %parallel_loop3A_161 : vector<16xf32>
          %parallel_loop3A_163 = arith.fptosi %parallel_loop3A_162 : vector<16xf32> to vector<16xi32>
          %parallel_loop3A_164 = arith.constant 96 : i32
          %parallel_loop3A_165 = vector.broadcast %parallel_loop3A_164 : i32 to vector<16xi32>
          %parallel_loop3A_166 = arith.muli %parallel_loop3A_163, %parallel_loop3A_165 : vector<16xi32>
          %parallel_loop3A_167 = arith.addi %parallel_loop3A_166, %add3A_37 : vector<16xi32>
          %parallel_loop3A_168 = vector.bitcast %parallel_loop3A_167 : vector<16xi32> to vector<16xi32>
          %parallel_loop3A_169 = arith.constant 1769472 : i32
          %parallel_loop3A_170 = vector.broadcast %parallel_loop3A_169 : i32 to vector<16xi32>
          %parallel_loop3A_171 = arith.cmpi ult, %parallel_loop3A_168, %parallel_loop3A_170 : vector<16xi32>
          %parallel_loop3A_172 = arith.constant 1048575 : i32
          %parallel_loop3A_173 = vector.broadcast %parallel_loop3A_172 : i32 to vector<16xi32>
          %parallel_loop3A_174 = arith.andi %parallel_loop3A_167, %parallel_loop3A_173 : vector<16xi32>
          %parallel_loop3A_175 = arith.select %parallel_loop3A_171, %parallel_loop3A_167, %parallel_loop3A_174 : vector<16xi1>, vector<16xi32>
          %parallel_loop3A_176 = arith.index_cast %parallel_loop3A_149 : i32 to index
          %parallel_loop3A_177 = tpu.vector_load %arg10[%parallel_loop3A_176] {strides = array<i32>} : memref<3072xi32, #tpu.memory_space<vmem>>, vector<16xi32>,
          %parallel_loop3A_178 = vector.shape_cast %parallel_loop3A_177 : vector<16xi32> to vector<16xi32>
          %parallel_loop3A_179 = vector.shape_cast %parallel_loop3A_175 : vector<16xi32> to vector<16xi32>
          tpu.vector_store %arg10[%parallel_loop3A_176], %parallel_loop3A_179 {strides = array<i32>} : memref<3072xi32, #tpu.memory_space<vmem>>, vector<16xi32>,
          %parallel_loop3A_180 = arith.index_cast %parallel_loop3A_149 : i32 to index
          %parallel_loop3A_181 = tpu.vector_load %arg8[%parallel_loop3A_180] {strides = array<i32>} : memref<3072xf32, #tpu.memory_space<vmem>>, vector<16xf32>,
          %parallel_loop3A_182 = vector.shape_cast %parallel_loop3A_181 : vector<16xf32> to vector<16xf32>
          %parallel_loop3A_183 = arith.constant 0.000000e+00 : f32
          %parallel_loop3A_184 = vector.broadcast %parallel_loop3A_183 : f32 to vector<16xf32>
          %parallel_loop3A_185 = arith.select %parallel_loop3A_171, %parallel_loop3A_182, %parallel_loop3A_184 : vector<16xi1>, vector<16xf32>
          %parallel_loop3A_186 = arith.index_cast %parallel_loop3A_149 : i32 to index
          %parallel_loop3A_187 = tpu.vector_load %arg8[%parallel_loop3A_186] {strides = array<i32>} : memref<3072xf32, #tpu.memory_space<vmem>>, vector<16xf32>,
          %parallel_loop3A_188 = vector.shape_cast %parallel_loop3A_187 : vector<16xf32> to vector<16xf32>
          %parallel_loop3A_189 = vector.shape_cast %parallel_loop3A_185 : vector<16xf32> to vector<16xf32>
          tpu.vector_store %arg8[%parallel_loop3A_186], %parallel_loop3A_189 {strides = array<i32>} : memref<3072xf32, #tpu.memory_space<vmem>>, vector<16xf32>,
          %parallel_loop3A_190 = arith.constant 16 : i32
          %parallel_loop3A_191 = arith.addi %parallel_loop3A_147, %parallel_loop3A_190 : i32
          %parallel_loop3A_192 = arith.index_cast %parallel_loop3A_191 : i32 to index
          %parallel_loop3A_193 = tpu.vector_load %arg6[%parallel_loop3A_192] {strides = array<i32>} : memref<3072xi32, #tpu.memory_space<vmem>>, vector<16xi32>,
          %parallel_loop3A_194 = vector.shape_cast %parallel_loop3A_193 : vector<16xi32> to vector<16xi32>
          %parallel_loop3A_195 = arith.constant 5 : i32
          %parallel_loop3A_196 = vector.broadcast %parallel_loop3A_195 : i32 to vector<16xi32>
          %parallel_loop3A_197 = arith.shrsi %parallel_loop3A_194, %parallel_loop3A_196 : vector<16xi32>
          %parallel_loop3A_198 = arith.sitofp %parallel_loop3A_197 : vector<16xi32> to vector<16xf32>
          %parallel_loop3A_199 = arith.constant 0.333333343 : f32
          %parallel_loop3A_200 = vector.broadcast %parallel_loop3A_199 : f32 to vector<16xf32>
          %parallel_loop3A_201 = arith.mulf %parallel_loop3A_198, %parallel_loop3A_200 : vector<16xf32>
          %parallel_loop3A_202 = arith.constant 1.000000e-01 : f32
          %parallel_loop3A_203 = vector.broadcast %parallel_loop3A_202 : f32 to vector<16xf32>
          %parallel_loop3A_204 = arith.addf %parallel_loop3A_201, %parallel_loop3A_203 : vector<16xf32>
          %parallel_loop3A_205 = arith.fptosi %parallel_loop3A_204 : vector<16xf32> to vector<16xi32>
          %parallel_loop3A_206 = arith.constant 96 : i32
          %parallel_loop3A_207 = vector.broadcast %parallel_loop3A_206 : i32 to vector<16xi32>
          %parallel_loop3A_208 = arith.muli %parallel_loop3A_205, %parallel_loop3A_207 : vector<16xi32>
          %parallel_loop3A_209 = arith.addi %parallel_loop3A_208, %add3A_41 : vector<16xi32>
          %parallel_loop3A_210 = vector.bitcast %parallel_loop3A_209 : vector<16xi32> to vector<16xi32>
          %parallel_loop3A_211 = arith.constant 1769472 : i32
          %parallel_loop3A_212 = vector.broadcast %parallel_loop3A_211 : i32 to vector<16xi32>
          %parallel_loop3A_213 = arith.cmpi ult, %parallel_loop3A_210, %parallel_loop3A_212 : vector<16xi32>
          %parallel_loop3A_214 = arith.constant 1048575 : i32
          %parallel_loop3A_215 = vector.broadcast %parallel_loop3A_214 : i32 to vector<16xi32>
          %parallel_loop3A_216 = arith.andi %parallel_loop3A_209, %parallel_loop3A_215 : vector<16xi32>
          %parallel_loop3A_217 = arith.select %parallel_loop3A_213, %parallel_loop3A_209, %parallel_loop3A_216 : vector<16xi1>, vector<16xi32>
          %parallel_loop3A_218 = arith.index_cast %parallel_loop3A_191 : i32 to index
          %parallel_loop3A_219 = tpu.vector_load %arg10[%parallel_loop3A_218] {strides = array<i32>} : memref<3072xi32, #tpu.memory_space<vmem>>, vector<16xi32>,
          %parallel_loop3A_220 = vector.shape_cast %parallel_loop3A_219 : vector<16xi32> to vector<16xi32>
          %parallel_loop3A_221 = vector.shape_cast %parallel_loop3A_217 : vector<16xi32> to vector<16xi32>
          tpu.vector_store %arg10[%parallel_loop3A_218], %parallel_loop3A_221 {strides = array<i32>} : memref<3072xi32, #tpu.memory_space<vmem>>, vector<16xi32>,
          %parallel_loop3A_222 = arith.index_cast %parallel_loop3A_191 : i32 to index
          %parallel_loop3A_223 = tpu.vector_load %arg8[%parallel_loop3A_222] {strides = array<i32>} : memref<3072xf32, #tpu.memory_space<vmem>>, vector<16xf32>,
          %parallel_loop3A_224 = vector.shape_cast %parallel_loop3A_223 : vector<16xf32> to vector<16xf32>
          %parallel_loop3A_225 = arith.constant 0.000000e+00 : f32
          %parallel_loop3A_226 = vector.broadcast %parallel_loop3A_225 : f32 to vector<16xf32>
          %parallel_loop3A_227 = arith.select %parallel_loop3A_213, %parallel_loop3A_224, %parallel_loop3A_226 : vector<16xi1>, vector<16xf32>
          %parallel_loop3A_228 = arith.index_cast %parallel_loop3A_191 : i32 to index
          %parallel_loop3A_229 = tpu.vector_load %arg8[%parallel_loop3A_228] {strides = array<i32>} : memref<3072xf32, #tpu.memory_space<vmem>>, vector<16xf32>,
          %parallel_loop3A_230 = vector.shape_cast %parallel_loop3A_229 : vector<16xf32> to vector<16xf32>
          %parallel_loop3A_231 = vector.shape_cast %parallel_loop3A_227 : vector<16xf32> to vector<16xf32>
          tpu.vector_store %arg8[%parallel_loop3A_228], %parallel_loop3A_231 {strides = array<i32>} : memref<3072xf32, #tpu.memory_space<vmem>>, vector<16xf32>,
          %parallel_loop3A_232 = arith.constant 32 : i32
          %parallel_loop3A_233 = arith.addi %parallel_loop3A_147, %parallel_loop3A_232 : i32
          %parallel_loop3A_234 = arith.index_cast %parallel_loop3A_233 : i32 to index
          %parallel_loop3A_235 = tpu.vector_load %arg6[%parallel_loop3A_234] {strides = array<i32>} : memref<3072xi32, #tpu.memory_space<vmem>>, vector<16xi32>,
          %parallel_loop3A_236 = vector.shape_cast %parallel_loop3A_235 : vector<16xi32> to vector<16xi32>
          %parallel_loop3A_237 = arith.constant 5 : i32
          %parallel_loop3A_238 = vector.broadcast %parallel_loop3A_237 : i32 to vector<16xi32>
          %parallel_loop3A_239 = arith.shrsi %parallel_loop3A_236, %parallel_loop3A_238 : vector<16xi32>
          %parallel_loop3A_240 = arith.sitofp %parallel_loop3A_239 : vector<16xi32> to vector<16xf32>
          %parallel_loop3A_241 = arith.constant 0.333333343 : f32
          %parallel_loop3A_242 = vector.broadcast %parallel_loop3A_241 : f32 to vector<16xf32>
          %parallel_loop3A_243 = arith.mulf %parallel_loop3A_240, %parallel_loop3A_242 : vector<16xf32>
          %parallel_loop3A_244 = arith.constant 1.000000e-01 : f32
          %parallel_loop3A_245 = vector.broadcast %parallel_loop3A_244 : f32 to vector<16xf32>
          %parallel_loop3A_246 = arith.addf %parallel_loop3A_243, %parallel_loop3A_245 : vector<16xf32>
          %parallel_loop3A_247 = arith.fptosi %parallel_loop3A_246 : vector<16xf32> to vector<16xi32>
          %parallel_loop3A_248 = arith.constant 96 : i32
          %parallel_loop3A_249 = vector.broadcast %parallel_loop3A_248 : i32 to vector<16xi32>
          %parallel_loop3A_250 = arith.muli %parallel_loop3A_247, %parallel_loop3A_249 : vector<16xi32>
          %parallel_loop3A_251 = arith.addi %parallel_loop3A_250, %add3A_45 : vector<16xi32>
          %parallel_loop3A_252 = vector.bitcast %parallel_loop3A_251 : vector<16xi32> to vector<16xi32>
          %parallel_loop3A_253 = arith.constant 1769472 : i32
          %parallel_loop3A_254 = vector.broadcast %parallel_loop3A_253 : i32 to vector<16xi32>
          %parallel_loop3A_255 = arith.cmpi ult, %parallel_loop3A_252, %parallel_loop3A_254 : vector<16xi32>
          %parallel_loop3A_256 = arith.constant 1048575 : i32
          %parallel_loop3A_257 = vector.broadcast %parallel_loop3A_256 : i32 to vector<16xi32>
          %parallel_loop3A_258 = arith.andi %parallel_loop3A_251, %parallel_loop3A_257 : vector<16xi32>
          %parallel_loop3A_259 = arith.select %parallel_loop3A_255, %parallel_loop3A_251, %parallel_loop3A_258 : vector<16xi1>, vector<16xi32>
          %parallel_loop3A_260 = arith.index_cast %parallel_loop3A_233 : i32 to index
          %parallel_loop3A_261 = tpu.vector_load %arg10[%parallel_loop3A_260] {strides = array<i32>} : memref<3072xi32, #tpu.memory_space<vmem>>, vector<16xi32>,
          %parallel_loop3A_262 = vector.shape_cast %parallel_loop3A_261 : vector<16xi32> to vector<16xi32>
          %parallel_loop3A_263 = vector.shape_cast %parallel_loop3A_259 : vector<16xi32> to vector<16xi32>
          tpu.vector_store %arg10[%parallel_loop3A_260], %parallel_loop3A_263 {strides = array<i32>} : memref<3072xi32, #tpu.memory_space<vmem>>, vector<16xi32>,
          %parallel_loop3A_264 = arith.index_cast %parallel_loop3A_233 : i32 to index
          %parallel_loop3A_265 = tpu.vector_load %arg8[%parallel_loop3A_264] {strides = array<i32>} : memref<3072xf32, #tpu.memory_space<vmem>>, vector<16xf32>,
          %parallel_loop3A_266 = vector.shape_cast %parallel_loop3A_265 : vector<16xf32> to vector<16xf32>
          %parallel_loop3A_267 = arith.constant 0.000000e+00 : f32
          %parallel_loop3A_268 = vector.broadcast %parallel_loop3A_267 : f32 to vector<16xf32>
          %parallel_loop3A_269 = arith.select %parallel_loop3A_255, %parallel_loop3A_266, %parallel_loop3A_268 : vector<16xi1>, vector<16xf32>
          %parallel_loop3A_270 = arith.index_cast %parallel_loop3A_233 : i32 to index
          %parallel_loop3A_271 = tpu.vector_load %arg8[%parallel_loop3A_270] {strides = array<i32>} : memref<3072xf32, #tpu.memory_space<vmem>>, vector<16xf32>,
          %parallel_loop3A_272 = vector.shape_cast %parallel_loop3A_271 : vector<16xf32> to vector<16xf32>
          %parallel_loop3A_273 = vector.shape_cast %parallel_loop3A_269 : vector<16xf32> to vector<16xf32>
          tpu.vector_store %arg8[%parallel_loop3A_270], %parallel_loop3A_273 {strides = array<i32>} : memref<3072xf32, #tpu.memory_space<vmem>>, vector<16xf32>,
          %parallel_loop3A_274 = arith.constant 48 : i32
          %parallel_loop3A_275 = arith.addi %parallel_loop3A_147, %parallel_loop3A_274 : i32
          %parallel_loop3A_276 = arith.index_cast %parallel_loop3A_275 : i32 to index
          %parallel_loop3A_277 = tpu.vector_load %arg6[%parallel_loop3A_276] {strides = array<i32>} : memref<3072xi32, #tpu.memory_space<vmem>>, vector<16xi32>,
          %parallel_loop3A_278 = vector.shape_cast %parallel_loop3A_277 : vector<16xi32> to vector<16xi32>
          %parallel_loop3A_279 = arith.constant 5 : i32
          %parallel_loop3A_280 = vector.broadcast %parallel_loop3A_279 : i32 to vector<16xi32>
          %parallel_loop3A_281 = arith.shrsi %parallel_loop3A_278, %parallel_loop3A_280 : vector<16xi32>
          %parallel_loop3A_282 = arith.sitofp %parallel_loop3A_281 : vector<16xi32> to vector<16xf32>
          %parallel_loop3A_283 = arith.constant 0.333333343 : f32
          %parallel_loop3A_284 = vector.broadcast %parallel_loop3A_283 : f32 to vector<16xf32>
          %parallel_loop3A_285 = arith.mulf %parallel_loop3A_282, %parallel_loop3A_284 : vector<16xf32>
          %parallel_loop3A_286 = arith.constant 1.000000e-01 : f32
          %parallel_loop3A_287 = vector.broadcast %parallel_loop3A_286 : f32 to vector<16xf32>
          %parallel_loop3A_288 = arith.addf %parallel_loop3A_285, %parallel_loop3A_287 : vector<16xf32>
          %parallel_loop3A_289 = arith.fptosi %parallel_loop3A_288 : vector<16xf32> to vector<16xi32>
          %parallel_loop3A_290 = arith.constant 96 : i32
          %parallel_loop3A_291 = vector.broadcast %parallel_loop3A_290 : i32 to vector<16xi32>
          %parallel_loop3A_292 = arith.muli %parallel_loop3A_289, %parallel_loop3A_291 : vector<16xi32>
          %parallel_loop3A_293 = arith.addi %parallel_loop3A_292, %add3A_49 : vector<16xi32>
          %parallel_loop3A_294 = vector.bitcast %parallel_loop3A_293 : vector<16xi32> to vector<16xi32>
          %parallel_loop3A_295 = arith.constant 1769472 : i32
          %parallel_loop3A_296 = vector.broadcast %parallel_loop3A_295 : i32 to vector<16xi32>
          %parallel_loop3A_297 = arith.cmpi ult, %parallel_loop3A_294, %parallel_loop3A_296 : vector<16xi32>
          %parallel_loop3A_298 = arith.constant 1048575 : i32
          %parallel_loop3A_299 = vector.broadcast %parallel_loop3A_298 : i32 to vector<16xi32>
          %parallel_loop3A_300 = arith.andi %parallel_loop3A_293, %parallel_loop3A_299 : vector<16xi32>
          %parallel_loop3A_301 = arith.select %parallel_loop3A_297, %parallel_loop3A_293, %parallel_loop3A_300 : vector<16xi1>, vector<16xi32>
          %parallel_loop3A_302 = arith.index_cast %parallel_loop3A_275 : i32 to index
          %parallel_loop3A_303 = tpu.vector_load %arg10[%parallel_loop3A_302] {strides = array<i32>} : memref<3072xi32, #tpu.memory_space<vmem>>, vector<16xi32>,
          %parallel_loop3A_304 = vector.shape_cast %parallel_loop3A_303 : vector<16xi32> to vector<16xi32>
          %parallel_loop3A_305 = vector.shape_cast %parallel_loop3A_301 : vector<16xi32> to vector<16xi32>
          tpu.vector_store %arg10[%parallel_loop3A_302], %parallel_loop3A_305 {strides = array<i32>} : memref<3072xi32, #tpu.memory_space<vmem>>, vector<16xi32>,
          %parallel_loop3A_306 = arith.index_cast %parallel_loop3A_275 : i32 to index
          %parallel_loop3A_307 = tpu.vector_load %arg8[%parallel_loop3A_306] {strides = array<i32>} : memref<3072xf32, #tpu.memory_space<vmem>>, vector<16xf32>,
          %parallel_loop3A_308 = vector.shape_cast %parallel_loop3A_307 : vector<16xf32> to vector<16xf32>
          %parallel_loop3A_309 = arith.constant 0.000000e+00 : f32
          %parallel_loop3A_310 = vector.broadcast %parallel_loop3A_309 : f32 to vector<16xf32>
          %parallel_loop3A_311 = arith.select %parallel_loop3A_297, %parallel_loop3A_308, %parallel_loop3A_310 : vector<16xi1>, vector<16xf32>
          %parallel_loop3A_312 = arith.index_cast %parallel_loop3A_275 : i32 to index
          %parallel_loop3A_313 = tpu.vector_load %arg8[%parallel_loop3A_312] {strides = array<i32>} : memref<3072xf32, #tpu.memory_space<vmem>>, vector<16xf32>,
          %parallel_loop3A_314 = vector.shape_cast %parallel_loop3A_313 : vector<16xf32> to vector<16xf32>
          %parallel_loop3A_315 = vector.shape_cast %parallel_loop3A_311 : vector<16xf32> to vector<16xf32>
          tpu.vector_store %arg8[%parallel_loop3A_312], %parallel_loop3A_315 {strides = array<i32>} : memref<3072xf32, #tpu.memory_space<vmem>>, vector<16xf32>,
          %parallel_loop3A_316 = arith.constant 64 : i32
          %parallel_loop3A_317 = arith.addi %parallel_loop3A_147, %parallel_loop3A_316 : i32
          %parallel_loop3A_318 = arith.index_cast %parallel_loop3A_317 : i32 to index
          %parallel_loop3A_319 = tpu.vector_load %arg6[%parallel_loop3A_318] {strides = array<i32>} : memref<3072xi32, #tpu.memory_space<vmem>>, vector<16xi32>,
          %parallel_loop3A_320 = vector.shape_cast %parallel_loop3A_319 : vector<16xi32> to vector<16xi32>
          %parallel_loop3A_321 = arith.constant 5 : i32
          %parallel_loop3A_322 = vector.broadcast %parallel_loop3A_321 : i32 to vector<16xi32>
          %parallel_loop3A_323 = arith.shrsi %parallel_loop3A_320, %parallel_loop3A_322 : vector<16xi32>
          %parallel_loop3A_324 = arith.sitofp %parallel_loop3A_323 : vector<16xi32> to vector<16xf32>
          %parallel_loop3A_325 = arith.constant 0.333333343 : f32
          %parallel_loop3A_326 = vector.broadcast %parallel_loop3A_325 : f32 to vector<16xf32>
          %parallel_loop3A_327 = arith.mulf %parallel_loop3A_324, %parallel_loop3A_326 : vector<16xf32>
          %parallel_loop3A_328 = arith.constant 1.000000e-01 : f32
          %parallel_loop3A_329 = vector.broadcast %parallel_loop3A_328 : f32 to vector<16xf32>
          %parallel_loop3A_330 = arith.addf %parallel_loop3A_327, %parallel_loop3A_329 : vector<16xf32>
          %parallel_loop3A_331 = arith.fptosi %parallel_loop3A_330 : vector<16xf32> to vector<16xi32>
          %parallel_loop3A_332 = arith.constant 96 : i32
          %parallel_loop3A_333 = vector.broadcast %parallel_loop3A_332 : i32 to vector<16xi32>
          %parallel_loop3A_334 = arith.muli %parallel_loop3A_331, %parallel_loop3A_333 : vector<16xi32>
          %parallel_loop3A_335 = arith.addi %parallel_loop3A_334, %add3A_53 : vector<16xi32>
          %parallel_loop3A_336 = vector.bitcast %parallel_loop3A_335 : vector<16xi32> to vector<16xi32>
          %parallel_loop3A_337 = arith.constant 1769472 : i32
          %parallel_loop3A_338 = vector.broadcast %parallel_loop3A_337 : i32 to vector<16xi32>
          %parallel_loop3A_339 = arith.cmpi ult, %parallel_loop3A_336, %parallel_loop3A_338 : vector<16xi32>
          %parallel_loop3A_340 = arith.constant 1048575 : i32
          %parallel_loop3A_341 = vector.broadcast %parallel_loop3A_340 : i32 to vector<16xi32>
          %parallel_loop3A_342 = arith.andi %parallel_loop3A_335, %parallel_loop3A_341 : vector<16xi32>
          %parallel_loop3A_343 = arith.select %parallel_loop3A_339, %parallel_loop3A_335, %parallel_loop3A_342 : vector<16xi1>, vector<16xi32>
          %parallel_loop3A_344 = arith.index_cast %parallel_loop3A_317 : i32 to index
          %parallel_loop3A_345 = tpu.vector_load %arg10[%parallel_loop3A_344] {strides = array<i32>} : memref<3072xi32, #tpu.memory_space<vmem>>, vector<16xi32>,
          %parallel_loop3A_346 = vector.shape_cast %parallel_loop3A_345 : vector<16xi32> to vector<16xi32>
          %parallel_loop3A_347 = vector.shape_cast %parallel_loop3A_343 : vector<16xi32> to vector<16xi32>
          tpu.vector_store %arg10[%parallel_loop3A_344], %parallel_loop3A_347 {strides = array<i32>} : memref<3072xi32, #tpu.memory_space<vmem>>, vector<16xi32>,
          %parallel_loop3A_348 = arith.index_cast %parallel_loop3A_317 : i32 to index
          %parallel_loop3A_349 = tpu.vector_load %arg8[%parallel_loop3A_348] {strides = array<i32>} : memref<3072xf32, #tpu.memory_space<vmem>>, vector<16xf32>,
          %parallel_loop3A_350 = vector.shape_cast %parallel_loop3A_349 : vector<16xf32> to vector<16xf32>
          %parallel_loop3A_351 = arith.constant 0.000000e+00 : f32
          %parallel_loop3A_352 = vector.broadcast %parallel_loop3A_351 : f32 to vector<16xf32>
          %parallel_loop3A_353 = arith.select %parallel_loop3A_339, %parallel_loop3A_350, %parallel_loop3A_352 : vector<16xi1>, vector<16xf32>
          %parallel_loop3A_354 = arith.index_cast %parallel_loop3A_317 : i32 to index
          %parallel_loop3A_355 = tpu.vector_load %arg8[%parallel_loop3A_354] {strides = array<i32>} : memref<3072xf32, #tpu.memory_space<vmem>>, vector<16xf32>,
          %parallel_loop3A_356 = vector.shape_cast %parallel_loop3A_355 : vector<16xf32> to vector<16xf32>
          %parallel_loop3A_357 = vector.shape_cast %parallel_loop3A_353 : vector<16xf32> to vector<16xf32>
          tpu.vector_store %arg8[%parallel_loop3A_354], %parallel_loop3A_357 {strides = array<i32>} : memref<3072xf32, #tpu.memory_space<vmem>>, vector<16xf32>,
          %parallel_loop3A_358 = arith.constant 80 : i32
          %parallel_loop3A_359 = arith.addi %parallel_loop3A_147, %parallel_loop3A_358 : i32
          %parallel_loop3A_360 = arith.index_cast %parallel_loop3A_359 : i32 to index
          %parallel_loop3A_361 = tpu.vector_load %arg6[%parallel_loop3A_360] {strides = array<i32>} : memref<3072xi32, #tpu.memory_space<vmem>>, vector<16xi32>,
          %parallel_loop3A_362 = vector.shape_cast %parallel_loop3A_361 : vector<16xi32> to vector<16xi32>
          %parallel_loop3A_363 = arith.constant 5 : i32
          %parallel_loop3A_364 = vector.broadcast %parallel_loop3A_363 : i32 to vector<16xi32>
          %parallel_loop3A_365 = arith.shrsi %parallel_loop3A_362, %parallel_loop3A_364 : vector<16xi32>
          %parallel_loop3A_366 = arith.sitofp %parallel_loop3A_365 : vector<16xi32> to vector<16xf32>
          %parallel_loop3A_367 = arith.constant 0.333333343 : f32
          %parallel_loop3A_368 = vector.broadcast %parallel_loop3A_367 : f32 to vector<16xf32>
          %parallel_loop3A_369 = arith.mulf %parallel_loop3A_366, %parallel_loop3A_368 : vector<16xf32>
          %parallel_loop3A_370 = arith.constant 1.000000e-01 : f32
          %parallel_loop3A_371 = vector.broadcast %parallel_loop3A_370 : f32 to vector<16xf32>
          %parallel_loop3A_372 = arith.addf %parallel_loop3A_369, %parallel_loop3A_371 : vector<16xf32>
          %parallel_loop3A_373 = arith.fptosi %parallel_loop3A_372 : vector<16xf32> to vector<16xi32>
          %parallel_loop3A_374 = arith.constant 96 : i32
          %parallel_loop3A_375 = vector.broadcast %parallel_loop3A_374 : i32 to vector<16xi32>
          %parallel_loop3A_376 = arith.muli %parallel_loop3A_373, %parallel_loop3A_375 : vector<16xi32>
          %parallel_loop3A_377 = arith.addi %parallel_loop3A_376, %add3A_57 : vector<16xi32>
          %parallel_loop3A_378 = vector.bitcast %parallel_loop3A_377 : vector<16xi32> to vector<16xi32>
          %parallel_loop3A_379 = arith.constant 1769472 : i32
          %parallel_loop3A_380 = vector.broadcast %parallel_loop3A_379 : i32 to vector<16xi32>
          %parallel_loop3A_381 = arith.cmpi ult, %parallel_loop3A_378, %parallel_loop3A_380 : vector<16xi32>
          %parallel_loop3A_382 = arith.constant 1048575 : i32
          %parallel_loop3A_383 = vector.broadcast %parallel_loop3A_382 : i32 to vector<16xi32>
          %parallel_loop3A_384 = arith.andi %parallel_loop3A_377, %parallel_loop3A_383 : vector<16xi32>
          %parallel_loop3A_385 = arith.select %parallel_loop3A_381, %parallel_loop3A_377, %parallel_loop3A_384 : vector<16xi1>, vector<16xi32>
          %parallel_loop3A_386 = arith.index_cast %parallel_loop3A_359 : i32 to index
          %parallel_loop3A_387 = tpu.vector_load %arg10[%parallel_loop3A_386] {strides = array<i32>} : memref<3072xi32, #tpu.memory_space<vmem>>, vector<16xi32>,
          %parallel_loop3A_388 = vector.shape_cast %parallel_loop3A_387 : vector<16xi32> to vector<16xi32>
          %parallel_loop3A_389 = vector.shape_cast %parallel_loop3A_385 : vector<16xi32> to vector<16xi32>
          tpu.vector_store %arg10[%parallel_loop3A_386], %parallel_loop3A_389 {strides = array<i32>} : memref<3072xi32, #tpu.memory_space<vmem>>, vector<16xi32>,
          %parallel_loop3A_390 = arith.index_cast %parallel_loop3A_359 : i32 to index
          %parallel_loop3A_391 = tpu.vector_load %arg8[%parallel_loop3A_390] {strides = array<i32>} : memref<3072xf32, #tpu.memory_space<vmem>>, vector<16xf32>,
          %parallel_loop3A_392 = vector.shape_cast %parallel_loop3A_391 : vector<16xf32> to vector<16xf32>
          %parallel_loop3A_393 = arith.constant 0.000000e+00 : f32
          %parallel_loop3A_394 = vector.broadcast %parallel_loop3A_393 : f32 to vector<16xf32>
          %parallel_loop3A_395 = arith.select %parallel_loop3A_381, %parallel_loop3A_392, %parallel_loop3A_394 : vector<16xi1>, vector<16xf32>
          %parallel_loop3A_396 = arith.index_cast %parallel_loop3A_359 : i32 to index
          %parallel_loop3A_397 = tpu.vector_load %arg8[%parallel_loop3A_396] {strides = array<i32>} : memref<3072xf32, #tpu.memory_space<vmem>>, vector<16xf32>,
          %parallel_loop3A_398 = vector.shape_cast %parallel_loop3A_397 : vector<16xf32> to vector<16xf32>
          %parallel_loop3A_399 = vector.shape_cast %parallel_loop3A_395 : vector<16xf32> to vector<16xf32>
          tpu.vector_store %arg8[%parallel_loop3A_396], %parallel_loop3A_399 {strides = array<i32>} : memref<3072xf32, #tpu.memory_space<vmem>>, vector<16xf32>,
        } {sc.loop_unroll_factor = 1 : i64, sc.parallel_access}
        %dma_start3A_123 = arith.constant 0 : i32
        %dma_start3A_124 = tpu.memref_slice %arg12[%dma_start3A_123] : memref<1769472xf32, #tpu.memory_space<vmem_shared>> -> memref<1769472xf32, #tpu.memory_space<vmem_shared>>
        tpu.enqueue_indirect_dma source(%arg8 : memref<3072xf32, #tpu.memory_space<vmem>>) target(%dma_start3A_124 : memref<1769472xf32, #tpu.memory_space<vmem_shared>>) offsets(%arg10 : memref<3072xi32, #tpu.memory_space<vmem>>) semaphore(%arg15 : memref<!tpu.dma_semaphore, #tpu.memory_space<semaphore_mem>>) {add = true}
        %mul3A_125 = arith.constant 3072 : i32
        %mul3A_126 = arith.muli %add3A_98, %mul3A_125 : i32
        %add3A_127 = arith.addi %add3A_62, %mul3A_126 : i32
        %mul3A_128 = arith.constant 3072 : i32
        %mul3A_129 = arith.muli %add3A_98, %mul3A_128 : i32
        %add3A_130 = arith.addi %add3A_62, %mul3A_129 : i32
        %dma_wait3A_131 = tpu.memref_slice %arg3[%add3A_127] : memref<14155776xi32, #tpu.memory_space<hbm>> -> memref<3072xi32, #tpu.memory_space<hbm>>
        %dma_wait3A_132 = tpu.memref_slice %arg3[%add3A_127] : memref<14155776xi32, #tpu.memory_space<hbm>> -> memref<3072xi32, #tpu.memory_space<hbm>>
        tpu.wait_dma2 semaphore(%arg14 : memref<!tpu.dma_semaphore, #tpu.memory_space<semaphore_mem>>) src(%dma_wait3A_132 : memref<3072xi32, #tpu.memory_space<hbm>>) dst(%arg7 : memref<3072xi32, #tpu.memory_space<vmem>>)
        %dma_wait3A_133 = tpu.memref_slice %arg2[%add3A_130] : memref<14155776xf32, #tpu.memory_space<hbm>> -> memref<3072xf32, #tpu.memory_space<hbm>>
        %dma_wait3A_134 = tpu.memref_slice %arg2[%add3A_130] : memref<14155776xf32, #tpu.memory_space<hbm>> -> memref<3072xf32, #tpu.memory_space<hbm>>
        tpu.wait_dma2 semaphore(%arg14 : memref<!tpu.dma_semaphore, #tpu.memory_space<semaphore_mem>>) src(%dma_wait3A_134 : memref<3072xf32, #tpu.memory_space<hbm>>) dst(%arg9 : memref<3072xf32, #tpu.memory_space<vmem>>)
        %dma_wait3A_135 = arith.constant 0 : i32
        %dma_wait3A_136 = tpu.memref_slice %arg12[%dma_wait3A_135] : memref<1769472xf32, #tpu.memory_space<vmem_shared>> -> memref<1769472xf32, #tpu.memory_space<vmem_shared>>
        tpu.wait_indirect_dma semaphore(%arg15 : memref<!tpu.dma_semaphore, #tpu.memory_space<semaphore_mem>>) src(%arg8 : memref<3072xf32, #tpu.memory_space<vmem>>) dst(%dma_wait3A_136 : memref<1769472xf32, #tpu.memory_space<vmem_shared>>)
        %lt3A = arith.constant 35 : i32
        %lt3A_137 = arith.cmpi slt, %scan3A_93, %lt3A : i32
        %convert_element_type3A_138 = arith.extui %lt3A_137 : i1 to i32
        %cond3A_139 = arith.constant 0 : i32
        %cond3A_140 = arith.cmpi ne, %convert_element_type3A_138, %cond3A_139 : i32
        scf.if %cond3A_140 {
          %add3A_147 = arith.constant 2 : i32
          %add3A_148 = arith.addi %mul3A_96, %add3A_147 : i32
          %mul3A_149 = arith.constant 3072 : i32
          %mul3A_150 = arith.muli %add3A_148, %mul3A_149 : i32
          %add3A_151 = arith.addi %add3A_62, %mul3A_150 : i32
          %mul3A_152 = arith.constant 3072 : i32
          %mul3A_153 = arith.muli %add3A_148, %mul3A_152 : i32
          %add3A_154 = arith.addi %add3A_62, %mul3A_153 : i32
          %dma_start3A_155 = tpu.memref_slice %arg3[%add3A_151] : memref<14155776xi32, #tpu.memory_space<hbm>> -> memref<3072xi32, #tpu.memory_space<hbm>>
          %dma_start3A_156 = tpu.memref_slice %arg3[%add3A_151] : memref<14155776xi32, #tpu.memory_space<hbm>> -> memref<3072xi32, #tpu.memory_space<hbm>>
          tpu.enqueue_dma source(%dma_start3A_156 : memref<3072xi32, #tpu.memory_space<hbm>>) target(%arg6 : memref<3072xi32, #tpu.memory_space<vmem>>) target_semaphore(%arg13 : memref<!tpu.dma_semaphore, #tpu.memory_space<semaphore_mem>>)
          %dma_start3A_157 = tpu.memref_slice %arg2[%add3A_154] : memref<14155776xf32, #tpu.memory_space<hbm>> -> memref<3072xf32, #tpu.memory_space<hbm>>
          %dma_start3A_158 = tpu.memref_slice %arg2[%add3A_154] : memref<14155776xf32, #tpu.memory_space<hbm>> -> memref<3072xf32, #tpu.memory_space<hbm>>
          tpu.enqueue_dma source(%dma_start3A_158 : memref<3072xf32, #tpu.memory_space<hbm>>) target(%arg8 : memref<3072xf32, #tpu.memory_space<vmem>>) target_semaphore(%arg13 : memref<!tpu.dma_semaphore, #tpu.memory_space<semaphore_mem>>)
        } else {
        }
        %parallel_loop3A_141 = arith.constant 0 : i32
        %parallel_loop3A_142 = arith.constant 3072 : i32
        %parallel_loop3A_143 = arith.constant 96 : i32
        scf.for %parallel_loop3A_147 = %parallel_loop3A_141 to %parallel_loop3A_142 step %parallel_loop3A_143  : i32 {
          %parallel_loop3A_148 = arith.constant 0 : i32
          %parallel_loop3A_149 = arith.addi %parallel_loop3A_147, %parallel_loop3A_148 : i32
          %parallel_loop3A_150 = arith.index_cast %parallel_loop3A_149 : i32 to index
          %parallel_loop3A_151 = tpu.vector_load %arg7[%parallel_loop3A_150] {strides = array<i32>} : memref<3072xi32, #tpu.memory_space<vmem>>, vector<16xi32>,
          %parallel_loop3A_152 = vector.shape_cast %parallel_loop3A_151 : vector<16xi32> to vector<16xi32>
          %parallel_loop3A_153 = arith.constant 5 : i32
          %parallel_loop3A_154 = vector.broadcast %parallel_loop3A_153 : i32 to vector<16xi32>
          %parallel_loop3A_155 = arith.shrsi %parallel_loop3A_152, %parallel_loop3A_154 : vector<16xi32>
          %parallel_loop3A_156 = arith.sitofp %parallel_loop3A_155 : vector<16xi32> to vector<16xf32>
          %parallel_loop3A_157 = arith.constant 0.333333343 : f32
          %parallel_loop3A_158 = vector.broadcast %parallel_loop3A_157 : f32 to vector<16xf32>
          %parallel_loop3A_159 = arith.mulf %parallel_loop3A_156, %parallel_loop3A_158 : vector<16xf32>
          %parallel_loop3A_160 = arith.constant 1.000000e-01 : f32
          %parallel_loop3A_161 = vector.broadcast %parallel_loop3A_160 : f32 to vector<16xf32>
          %parallel_loop3A_162 = arith.addf %parallel_loop3A_159, %parallel_loop3A_161 : vector<16xf32>
          %parallel_loop3A_163 = arith.fptosi %parallel_loop3A_162 : vector<16xf32> to vector<16xi32>
          %parallel_loop3A_164 = arith.constant 96 : i32
          %parallel_loop3A_165 = vector.broadcast %parallel_loop3A_164 : i32 to vector<16xi32>
          %parallel_loop3A_166 = arith.muli %parallel_loop3A_163, %parallel_loop3A_165 : vector<16xi32>
          %parallel_loop3A_167 = arith.addi %parallel_loop3A_166, %add3A_37 : vector<16xi32>
          %parallel_loop3A_168 = vector.bitcast %parallel_loop3A_167 : vector<16xi32> to vector<16xi32>
          %parallel_loop3A_169 = arith.constant 1769472 : i32
          %parallel_loop3A_170 = vector.broadcast %parallel_loop3A_169 : i32 to vector<16xi32>
          %parallel_loop3A_171 = arith.cmpi ult, %parallel_loop3A_168, %parallel_loop3A_170 : vector<16xi32>
          %parallel_loop3A_172 = arith.constant 1048575 : i32
          %parallel_loop3A_173 = vector.broadcast %parallel_loop3A_172 : i32 to vector<16xi32>
          %parallel_loop3A_174 = arith.andi %parallel_loop3A_167, %parallel_loop3A_173 : vector<16xi32>
          %parallel_loop3A_175 = arith.select %parallel_loop3A_171, %parallel_loop3A_167, %parallel_loop3A_174 : vector<16xi1>, vector<16xi32>
          %parallel_loop3A_176 = arith.index_cast %parallel_loop3A_149 : i32 to index
          %parallel_loop3A_177 = tpu.vector_load %arg11[%parallel_loop3A_176] {strides = array<i32>} : memref<3072xi32, #tpu.memory_space<vmem>>, vector<16xi32>,
          %parallel_loop3A_178 = vector.shape_cast %parallel_loop3A_177 : vector<16xi32> to vector<16xi32>
          %parallel_loop3A_179 = vector.shape_cast %parallel_loop3A_175 : vector<16xi32> to vector<16xi32>
          tpu.vector_store %arg11[%parallel_loop3A_176], %parallel_loop3A_179 {strides = array<i32>} : memref<3072xi32, #tpu.memory_space<vmem>>, vector<16xi32>,
          %parallel_loop3A_180 = arith.index_cast %parallel_loop3A_149 : i32 to index
          %parallel_loop3A_181 = tpu.vector_load %arg9[%parallel_loop3A_180] {strides = array<i32>} : memref<3072xf32, #tpu.memory_space<vmem>>, vector<16xf32>,
          %parallel_loop3A_182 = vector.shape_cast %parallel_loop3A_181 : vector<16xf32> to vector<16xf32>
          %parallel_loop3A_183 = arith.constant 0.000000e+00 : f32
          %parallel_loop3A_184 = vector.broadcast %parallel_loop3A_183 : f32 to vector<16xf32>
          %parallel_loop3A_185 = arith.select %parallel_loop3A_171, %parallel_loop3A_182, %parallel_loop3A_184 : vector<16xi1>, vector<16xf32>
          %parallel_loop3A_186 = arith.index_cast %parallel_loop3A_149 : i32 to index
          %parallel_loop3A_187 = tpu.vector_load %arg9[%parallel_loop3A_186] {strides = array<i32>} : memref<3072xf32, #tpu.memory_space<vmem>>, vector<16xf32>,
          %parallel_loop3A_188 = vector.shape_cast %parallel_loop3A_187 : vector<16xf32> to vector<16xf32>
          %parallel_loop3A_189 = vector.shape_cast %parallel_loop3A_185 : vector<16xf32> to vector<16xf32>
          tpu.vector_store %arg9[%parallel_loop3A_186], %parallel_loop3A_189 {strides = array<i32>} : memref<3072xf32, #tpu.memory_space<vmem>>, vector<16xf32>,
          %parallel_loop3A_190 = arith.constant 16 : i32
          %parallel_loop3A_191 = arith.addi %parallel_loop3A_147, %parallel_loop3A_190 : i32
          %parallel_loop3A_192 = arith.index_cast %parallel_loop3A_191 : i32 to index
          %parallel_loop3A_193 = tpu.vector_load %arg7[%parallel_loop3A_192] {strides = array<i32>} : memref<3072xi32, #tpu.memory_space<vmem>>, vector<16xi32>,
          %parallel_loop3A_194 = vector.shape_cast %parallel_loop3A_193 : vector<16xi32> to vector<16xi32>
          %parallel_loop3A_195 = arith.constant 5 : i32
          %parallel_loop3A_196 = vector.broadcast %parallel_loop3A_195 : i32 to vector<16xi32>
          %parallel_loop3A_197 = arith.shrsi %parallel_loop3A_194, %parallel_loop3A_196 : vector<16xi32>
          %parallel_loop3A_198 = arith.sitofp %parallel_loop3A_197 : vector<16xi32> to vector<16xf32>
          %parallel_loop3A_199 = arith.constant 0.333333343 : f32
          %parallel_loop3A_200 = vector.broadcast %parallel_loop3A_199 : f32 to vector<16xf32>
          %parallel_loop3A_201 = arith.mulf %parallel_loop3A_198, %parallel_loop3A_200 : vector<16xf32>
          %parallel_loop3A_202 = arith.constant 1.000000e-01 : f32
          %parallel_loop3A_203 = vector.broadcast %parallel_loop3A_202 : f32 to vector<16xf32>
          %parallel_loop3A_204 = arith.addf %parallel_loop3A_201, %parallel_loop3A_203 : vector<16xf32>
          %parallel_loop3A_205 = arith.fptosi %parallel_loop3A_204 : vector<16xf32> to vector<16xi32>
          %parallel_loop3A_206 = arith.constant 96 : i32
          %parallel_loop3A_207 = vector.broadcast %parallel_loop3A_206 : i32 to vector<16xi32>
          %parallel_loop3A_208 = arith.muli %parallel_loop3A_205, %parallel_loop3A_207 : vector<16xi32>
          %parallel_loop3A_209 = arith.addi %parallel_loop3A_208, %add3A_41 : vector<16xi32>
          %parallel_loop3A_210 = vector.bitcast %parallel_loop3A_209 : vector<16xi32> to vector<16xi32>
          %parallel_loop3A_211 = arith.constant 1769472 : i32
          %parallel_loop3A_212 = vector.broadcast %parallel_loop3A_211 : i32 to vector<16xi32>
          %parallel_loop3A_213 = arith.cmpi ult, %parallel_loop3A_210, %parallel_loop3A_212 : vector<16xi32>
          %parallel_loop3A_214 = arith.constant 1048575 : i32
          %parallel_loop3A_215 = vector.broadcast %parallel_loop3A_214 : i32 to vector<16xi32>
          %parallel_loop3A_216 = arith.andi %parallel_loop3A_209, %parallel_loop3A_215 : vector<16xi32>
          %parallel_loop3A_217 = arith.select %parallel_loop3A_213, %parallel_loop3A_209, %parallel_loop3A_216 : vector<16xi1>, vector<16xi32>
          %parallel_loop3A_218 = arith.index_cast %parallel_loop3A_191 : i32 to index
          %parallel_loop3A_219 = tpu.vector_load %arg11[%parallel_loop3A_218] {strides = array<i32>} : memref<3072xi32, #tpu.memory_space<vmem>>, vector<16xi32>,
          %parallel_loop3A_220 = vector.shape_cast %parallel_loop3A_219 : vector<16xi32> to vector<16xi32>
          %parallel_loop3A_221 = vector.shape_cast %parallel_loop3A_217 : vector<16xi32> to vector<16xi32>
          tpu.vector_store %arg11[%parallel_loop3A_218], %parallel_loop3A_221 {strides = array<i32>} : memref<3072xi32, #tpu.memory_space<vmem>>, vector<16xi32>,
          %parallel_loop3A_222 = arith.index_cast %parallel_loop3A_191 : i32 to index
          %parallel_loop3A_223 = tpu.vector_load %arg9[%parallel_loop3A_222] {strides = array<i32>} : memref<3072xf32, #tpu.memory_space<vmem>>, vector<16xf32>,
          %parallel_loop3A_224 = vector.shape_cast %parallel_loop3A_223 : vector<16xf32> to vector<16xf32>
          %parallel_loop3A_225 = arith.constant 0.000000e+00 : f32
          %parallel_loop3A_226 = vector.broadcast %parallel_loop3A_225 : f32 to vector<16xf32>
          %parallel_loop3A_227 = arith.select %parallel_loop3A_213, %parallel_loop3A_224, %parallel_loop3A_226 : vector<16xi1>, vector<16xf32>
          %parallel_loop3A_228 = arith.index_cast %parallel_loop3A_191 : i32 to index
          %parallel_loop3A_229 = tpu.vector_load %arg9[%parallel_loop3A_228] {strides = array<i32>} : memref<3072xf32, #tpu.memory_space<vmem>>, vector<16xf32>,
          %parallel_loop3A_230 = vector.shape_cast %parallel_loop3A_229 : vector<16xf32> to vector<16xf32>
          %parallel_loop3A_231 = vector.shape_cast %parallel_loop3A_227 : vector<16xf32> to vector<16xf32>
          tpu.vector_store %arg9[%parallel_loop3A_228], %parallel_loop3A_231 {strides = array<i32>} : memref<3072xf32, #tpu.memory_space<vmem>>, vector<16xf32>,
          %parallel_loop3A_232 = arith.constant 32 : i32
          %parallel_loop3A_233 = arith.addi %parallel_loop3A_147, %parallel_loop3A_232 : i32
          %parallel_loop3A_234 = arith.index_cast %parallel_loop3A_233 : i32 to index
          %parallel_loop3A_235 = tpu.vector_load %arg7[%parallel_loop3A_234] {strides = array<i32>} : memref<3072xi32, #tpu.memory_space<vmem>>, vector<16xi32>,
          %parallel_loop3A_236 = vector.shape_cast %parallel_loop3A_235 : vector<16xi32> to vector<16xi32>
          %parallel_loop3A_237 = arith.constant 5 : i32
          %parallel_loop3A_238 = vector.broadcast %parallel_loop3A_237 : i32 to vector<16xi32>
          %parallel_loop3A_239 = arith.shrsi %parallel_loop3A_236, %parallel_loop3A_238 : vector<16xi32>
          %parallel_loop3A_240 = arith.sitofp %parallel_loop3A_239 : vector<16xi32> to vector<16xf32>
          %parallel_loop3A_241 = arith.constant 0.333333343 : f32
          %parallel_loop3A_242 = vector.broadcast %parallel_loop3A_241 : f32 to vector<16xf32>
          %parallel_loop3A_243 = arith.mulf %parallel_loop3A_240, %parallel_loop3A_242 : vector<16xf32>
          %parallel_loop3A_244 = arith.constant 1.000000e-01 : f32
          %parallel_loop3A_245 = vector.broadcast %parallel_loop3A_244 : f32 to vector<16xf32>
          %parallel_loop3A_246 = arith.addf %parallel_loop3A_243, %parallel_loop3A_245 : vector<16xf32>
          %parallel_loop3A_247 = arith.fptosi %parallel_loop3A_246 : vector<16xf32> to vector<16xi32>
          %parallel_loop3A_248 = arith.constant 96 : i32
          %parallel_loop3A_249 = vector.broadcast %parallel_loop3A_248 : i32 to vector<16xi32>
          %parallel_loop3A_250 = arith.muli %parallel_loop3A_247, %parallel_loop3A_249 : vector<16xi32>
          %parallel_loop3A_251 = arith.addi %parallel_loop3A_250, %add3A_45 : vector<16xi32>
          %parallel_loop3A_252 = vector.bitcast %parallel_loop3A_251 : vector<16xi32> to vector<16xi32>
          %parallel_loop3A_253 = arith.constant 1769472 : i32
          %parallel_loop3A_254 = vector.broadcast %parallel_loop3A_253 : i32 to vector<16xi32>
          %parallel_loop3A_255 = arith.cmpi ult, %parallel_loop3A_252, %parallel_loop3A_254 : vector<16xi32>
          %parallel_loop3A_256 = arith.constant 1048575 : i32
          %parallel_loop3A_257 = vector.broadcast %parallel_loop3A_256 : i32 to vector<16xi32>
          %parallel_loop3A_258 = arith.andi %parallel_loop3A_251, %parallel_loop3A_257 : vector<16xi32>
          %parallel_loop3A_259 = arith.select %parallel_loop3A_255, %parallel_loop3A_251, %parallel_loop3A_258 : vector<16xi1>, vector<16xi32>
          %parallel_loop3A_260 = arith.index_cast %parallel_loop3A_233 : i32 to index
          %parallel_loop3A_261 = tpu.vector_load %arg11[%parallel_loop3A_260] {strides = array<i32>} : memref<3072xi32, #tpu.memory_space<vmem>>, vector<16xi32>,
          %parallel_loop3A_262 = vector.shape_cast %parallel_loop3A_261 : vector<16xi32> to vector<16xi32>
          %parallel_loop3A_263 = vector.shape_cast %parallel_loop3A_259 : vector<16xi32> to vector<16xi32>
          tpu.vector_store %arg11[%parallel_loop3A_260], %parallel_loop3A_263 {strides = array<i32>} : memref<3072xi32, #tpu.memory_space<vmem>>, vector<16xi32>,
          %parallel_loop3A_264 = arith.index_cast %parallel_loop3A_233 : i32 to index
          %parallel_loop3A_265 = tpu.vector_load %arg9[%parallel_loop3A_264] {strides = array<i32>} : memref<3072xf32, #tpu.memory_space<vmem>>, vector<16xf32>,
          %parallel_loop3A_266 = vector.shape_cast %parallel_loop3A_265 : vector<16xf32> to vector<16xf32>
          %parallel_loop3A_267 = arith.constant 0.000000e+00 : f32
          %parallel_loop3A_268 = vector.broadcast %parallel_loop3A_267 : f32 to vector<16xf32>
          %parallel_loop3A_269 = arith.select %parallel_loop3A_255, %parallel_loop3A_266, %parallel_loop3A_268 : vector<16xi1>, vector<16xf32>
          %parallel_loop3A_270 = arith.index_cast %parallel_loop3A_233 : i32 to index
          %parallel_loop3A_271 = tpu.vector_load %arg9[%parallel_loop3A_270] {strides = array<i32>} : memref<3072xf32, #tpu.memory_space<vmem>>, vector<16xf32>,
          %parallel_loop3A_272 = vector.shape_cast %parallel_loop3A_271 : vector<16xf32> to vector<16xf32>
          %parallel_loop3A_273 = vector.shape_cast %parallel_loop3A_269 : vector<16xf32> to vector<16xf32>
          tpu.vector_store %arg9[%parallel_loop3A_270], %parallel_loop3A_273 {strides = array<i32>} : memref<3072xf32, #tpu.memory_space<vmem>>, vector<16xf32>,
          %parallel_loop3A_274 = arith.constant 48 : i32
          %parallel_loop3A_275 = arith.addi %parallel_loop3A_147, %parallel_loop3A_274 : i32
          %parallel_loop3A_276 = arith.index_cast %parallel_loop3A_275 : i32 to index
          %parallel_loop3A_277 = tpu.vector_load %arg7[%parallel_loop3A_276] {strides = array<i32>} : memref<3072xi32, #tpu.memory_space<vmem>>, vector<16xi32>,
          %parallel_loop3A_278 = vector.shape_cast %parallel_loop3A_277 : vector<16xi32> to vector<16xi32>
          %parallel_loop3A_279 = arith.constant 5 : i32
          %parallel_loop3A_280 = vector.broadcast %parallel_loop3A_279 : i32 to vector<16xi32>
          %parallel_loop3A_281 = arith.shrsi %parallel_loop3A_278, %parallel_loop3A_280 : vector<16xi32>
          %parallel_loop3A_282 = arith.sitofp %parallel_loop3A_281 : vector<16xi32> to vector<16xf32>
          %parallel_loop3A_283 = arith.constant 0.333333343 : f32
          %parallel_loop3A_284 = vector.broadcast %parallel_loop3A_283 : f32 to vector<16xf32>
          %parallel_loop3A_285 = arith.mulf %parallel_loop3A_282, %parallel_loop3A_284 : vector<16xf32>
          %parallel_loop3A_286 = arith.constant 1.000000e-01 : f32
          %parallel_loop3A_287 = vector.broadcast %parallel_loop3A_286 : f32 to vector<16xf32>
          %parallel_loop3A_288 = arith.addf %parallel_loop3A_285, %parallel_loop3A_287 : vector<16xf32>
          %parallel_loop3A_289 = arith.fptosi %parallel_loop3A_288 : vector<16xf32> to vector<16xi32>
          %parallel_loop3A_290 = arith.constant 96 : i32
          %parallel_loop3A_291 = vector.broadcast %parallel_loop3A_290 : i32 to vector<16xi32>
          %parallel_loop3A_292 = arith.muli %parallel_loop3A_289, %parallel_loop3A_291 : vector<16xi32>
          %parallel_loop3A_293 = arith.addi %parallel_loop3A_292, %add3A_49 : vector<16xi32>
          %parallel_loop3A_294 = vector.bitcast %parallel_loop3A_293 : vector<16xi32> to vector<16xi32>
          %parallel_loop3A_295 = arith.constant 1769472 : i32
          %parallel_loop3A_296 = vector.broadcast %parallel_loop3A_295 : i32 to vector<16xi32>
          %parallel_loop3A_297 = arith.cmpi ult, %parallel_loop3A_294, %parallel_loop3A_296 : vector<16xi32>
          %parallel_loop3A_298 = arith.constant 1048575 : i32
          %parallel_loop3A_299 = vector.broadcast %parallel_loop3A_298 : i32 to vector<16xi32>
          %parallel_loop3A_300 = arith.andi %parallel_loop3A_293, %parallel_loop3A_299 : vector<16xi32>
          %parallel_loop3A_301 = arith.select %parallel_loop3A_297, %parallel_loop3A_293, %parallel_loop3A_300 : vector<16xi1>, vector<16xi32>
          %parallel_loop3A_302 = arith.index_cast %parallel_loop3A_275 : i32 to index
          %parallel_loop3A_303 = tpu.vector_load %arg11[%parallel_loop3A_302] {strides = array<i32>} : memref<3072xi32, #tpu.memory_space<vmem>>, vector<16xi32>,
          %parallel_loop3A_304 = vector.shape_cast %parallel_loop3A_303 : vector<16xi32> to vector<16xi32>
          %parallel_loop3A_305 = vector.shape_cast %parallel_loop3A_301 : vector<16xi32> to vector<16xi32>
          tpu.vector_store %arg11[%parallel_loop3A_302], %parallel_loop3A_305 {strides = array<i32>} : memref<3072xi32, #tpu.memory_space<vmem>>, vector<16xi32>,
          %parallel_loop3A_306 = arith.index_cast %parallel_loop3A_275 : i32 to index
          %parallel_loop3A_307 = tpu.vector_load %arg9[%parallel_loop3A_306] {strides = array<i32>} : memref<3072xf32, #tpu.memory_space<vmem>>, vector<16xf32>,
          %parallel_loop3A_308 = vector.shape_cast %parallel_loop3A_307 : vector<16xf32> to vector<16xf32>
          %parallel_loop3A_309 = arith.constant 0.000000e+00 : f32
          %parallel_loop3A_310 = vector.broadcast %parallel_loop3A_309 : f32 to vector<16xf32>
          %parallel_loop3A_311 = arith.select %parallel_loop3A_297, %parallel_loop3A_308, %parallel_loop3A_310 : vector<16xi1>, vector<16xf32>
          %parallel_loop3A_312 = arith.index_cast %parallel_loop3A_275 : i32 to index
          %parallel_loop3A_313 = tpu.vector_load %arg9[%parallel_loop3A_312] {strides = array<i32>} : memref<3072xf32, #tpu.memory_space<vmem>>, vector<16xf32>,
          %parallel_loop3A_314 = vector.shape_cast %parallel_loop3A_313 : vector<16xf32> to vector<16xf32>
          %parallel_loop3A_315 = vector.shape_cast %parallel_loop3A_311 : vector<16xf32> to vector<16xf32>
          tpu.vector_store %arg9[%parallel_loop3A_312], %parallel_loop3A_315 {strides = array<i32>} : memref<3072xf32, #tpu.memory_space<vmem>>, vector<16xf32>,
          %parallel_loop3A_316 = arith.constant 64 : i32
          %parallel_loop3A_317 = arith.addi %parallel_loop3A_147, %parallel_loop3A_316 : i32
          %parallel_loop3A_318 = arith.index_cast %parallel_loop3A_317 : i32 to index
          %parallel_loop3A_319 = tpu.vector_load %arg7[%parallel_loop3A_318] {strides = array<i32>} : memref<3072xi32, #tpu.memory_space<vmem>>, vector<16xi32>,
          %parallel_loop3A_320 = vector.shape_cast %parallel_loop3A_319 : vector<16xi32> to vector<16xi32>
          %parallel_loop3A_321 = arith.constant 5 : i32
          %parallel_loop3A_322 = vector.broadcast %parallel_loop3A_321 : i32 to vector<16xi32>
          %parallel_loop3A_323 = arith.shrsi %parallel_loop3A_320, %parallel_loop3A_322 : vector<16xi32>
          %parallel_loop3A_324 = arith.sitofp %parallel_loop3A_323 : vector<16xi32> to vector<16xf32>
          %parallel_loop3A_325 = arith.constant 0.333333343 : f32
          %parallel_loop3A_326 = vector.broadcast %parallel_loop3A_325 : f32 to vector<16xf32>
          %parallel_loop3A_327 = arith.mulf %parallel_loop3A_324, %parallel_loop3A_326 : vector<16xf32>
          %parallel_loop3A_328 = arith.constant 1.000000e-01 : f32
          %parallel_loop3A_329 = vector.broadcast %parallel_loop3A_328 : f32 to vector<16xf32>
          %parallel_loop3A_330 = arith.addf %parallel_loop3A_327, %parallel_loop3A_329 : vector<16xf32>
          %parallel_loop3A_331 = arith.fptosi %parallel_loop3A_330 : vector<16xf32> to vector<16xi32>
          %parallel_loop3A_332 = arith.constant 96 : i32
          %parallel_loop3A_333 = vector.broadcast %parallel_loop3A_332 : i32 to vector<16xi32>
          %parallel_loop3A_334 = arith.muli %parallel_loop3A_331, %parallel_loop3A_333 : vector<16xi32>
          %parallel_loop3A_335 = arith.addi %parallel_loop3A_334, %add3A_53 : vector<16xi32>
          %parallel_loop3A_336 = vector.bitcast %parallel_loop3A_335 : vector<16xi32> to vector<16xi32>
          %parallel_loop3A_337 = arith.constant 1769472 : i32
          %parallel_loop3A_338 = vector.broadcast %parallel_loop3A_337 : i32 to vector<16xi32>
          %parallel_loop3A_339 = arith.cmpi ult, %parallel_loop3A_336, %parallel_loop3A_338 : vector<16xi32>
          %parallel_loop3A_340 = arith.constant 1048575 : i32
          %parallel_loop3A_341 = vector.broadcast %parallel_loop3A_340 : i32 to vector<16xi32>
          %parallel_loop3A_342 = arith.andi %parallel_loop3A_335, %parallel_loop3A_341 : vector<16xi32>
          %parallel_loop3A_343 = arith.select %parallel_loop3A_339, %parallel_loop3A_335, %parallel_loop3A_342 : vector<16xi1>, vector<16xi32>
          %parallel_loop3A_344 = arith.index_cast %parallel_loop3A_317 : i32 to index
          %parallel_loop3A_345 = tpu.vector_load %arg11[%parallel_loop3A_344] {strides = array<i32>} : memref<3072xi32, #tpu.memory_space<vmem>>, vector<16xi32>,
          %parallel_loop3A_346 = vector.shape_cast %parallel_loop3A_345 : vector<16xi32> to vector<16xi32>
          %parallel_loop3A_347 = vector.shape_cast %parallel_loop3A_343 : vector<16xi32> to vector<16xi32>
          tpu.vector_store %arg11[%parallel_loop3A_344], %parallel_loop3A_347 {strides = array<i32>} : memref<3072xi32, #tpu.memory_space<vmem>>, vector<16xi32>,
          %parallel_loop3A_348 = arith.index_cast %parallel_loop3A_317 : i32 to index
          %parallel_loop3A_349 = tpu.vector_load %arg9[%parallel_loop3A_348] {strides = array<i32>} : memref<3072xf32, #tpu.memory_space<vmem>>, vector<16xf32>,
          %parallel_loop3A_350 = vector.shape_cast %parallel_loop3A_349 : vector<16xf32> to vector<16xf32>
          %parallel_loop3A_351 = arith.constant 0.000000e+00 : f32
          %parallel_loop3A_352 = vector.broadcast %parallel_loop3A_351 : f32 to vector<16xf32>
          %parallel_loop3A_353 = arith.select %parallel_loop3A_339, %parallel_loop3A_350, %parallel_loop3A_352 : vector<16xi1>, vector<16xf32>
          %parallel_loop3A_354 = arith.index_cast %parallel_loop3A_317 : i32 to index
          %parallel_loop3A_355 = tpu.vector_load %arg9[%parallel_loop3A_354] {strides = array<i32>} : memref<3072xf32, #tpu.memory_space<vmem>>, vector<16xf32>,
          %parallel_loop3A_356 = vector.shape_cast %parallel_loop3A_355 : vector<16xf32> to vector<16xf32>
          %parallel_loop3A_357 = vector.shape_cast %parallel_loop3A_353 : vector<16xf32> to vector<16xf32>
          tpu.vector_store %arg9[%parallel_loop3A_354], %parallel_loop3A_357 {strides = array<i32>} : memref<3072xf32, #tpu.memory_space<vmem>>, vector<16xf32>,
          %parallel_loop3A_358 = arith.constant 80 : i32
          %parallel_loop3A_359 = arith.addi %parallel_loop3A_147, %parallel_loop3A_358 : i32
          %parallel_loop3A_360 = arith.index_cast %parallel_loop3A_359 : i32 to index
          %parallel_loop3A_361 = tpu.vector_load %arg7[%parallel_loop3A_360] {strides = array<i32>} : memref<3072xi32, #tpu.memory_space<vmem>>, vector<16xi32>,
          %parallel_loop3A_362 = vector.shape_cast %parallel_loop3A_361 : vector<16xi32> to vector<16xi32>
          %parallel_loop3A_363 = arith.constant 5 : i32
          %parallel_loop3A_364 = vector.broadcast %parallel_loop3A_363 : i32 to vector<16xi32>
          %parallel_loop3A_365 = arith.shrsi %parallel_loop3A_362, %parallel_loop3A_364 : vector<16xi32>
          %parallel_loop3A_366 = arith.sitofp %parallel_loop3A_365 : vector<16xi32> to vector<16xf32>
          %parallel_loop3A_367 = arith.constant 0.333333343 : f32
          %parallel_loop3A_368 = vector.broadcast %parallel_loop3A_367 : f32 to vector<16xf32>
          %parallel_loop3A_369 = arith.mulf %parallel_loop3A_366, %parallel_loop3A_368 : vector<16xf32>
          %parallel_loop3A_370 = arith.constant 1.000000e-01 : f32
          %parallel_loop3A_371 = vector.broadcast %parallel_loop3A_370 : f32 to vector<16xf32>
          %parallel_loop3A_372 = arith.addf %parallel_loop3A_369, %parallel_loop3A_371 : vector<16xf32>
          %parallel_loop3A_373 = arith.fptosi %parallel_loop3A_372 : vector<16xf32> to vector<16xi32>
          %parallel_loop3A_374 = arith.constant 96 : i32
          %parallel_loop3A_375 = vector.broadcast %parallel_loop3A_374 : i32 to vector<16xi32>
          %parallel_loop3A_376 = arith.muli %parallel_loop3A_373, %parallel_loop3A_375 : vector<16xi32>
          %parallel_loop3A_377 = arith.addi %parallel_loop3A_376, %add3A_57 : vector<16xi32>
          %parallel_loop3A_378 = vector.bitcast %parallel_loop3A_377 : vector<16xi32> to vector<16xi32>
          %parallel_loop3A_379 = arith.constant 1769472 : i32
          %parallel_loop3A_380 = vector.broadcast %parallel_loop3A_379 : i32 to vector<16xi32>
          %parallel_loop3A_381 = arith.cmpi ult, %parallel_loop3A_378, %parallel_loop3A_380 : vector<16xi32>
          %parallel_loop3A_382 = arith.constant 1048575 : i32
          %parallel_loop3A_383 = vector.broadcast %parallel_loop3A_382 : i32 to vector<16xi32>
          %parallel_loop3A_384 = arith.andi %parallel_loop3A_377, %parallel_loop3A_383 : vector<16xi32>
          %parallel_loop3A_385 = arith.select %parallel_loop3A_381, %parallel_loop3A_377, %parallel_loop3A_384 : vector<16xi1>, vector<16xi32>
          %parallel_loop3A_386 = arith.index_cast %parallel_loop3A_359 : i32 to index
          %parallel_loop3A_387 = tpu.vector_load %arg11[%parallel_loop3A_386] {strides = array<i32>} : memref<3072xi32, #tpu.memory_space<vmem>>, vector<16xi32>,
          %parallel_loop3A_388 = vector.shape_cast %parallel_loop3A_387 : vector<16xi32> to vector<16xi32>
          %parallel_loop3A_389 = vector.shape_cast %parallel_loop3A_385 : vector<16xi32> to vector<16xi32>
          tpu.vector_store %arg11[%parallel_loop3A_386], %parallel_loop3A_389 {strides = array<i32>} : memref<3072xi32, #tpu.memory_space<vmem>>, vector<16xi32>,
          %parallel_loop3A_390 = arith.index_cast %parallel_loop3A_359 : i32 to index
          %parallel_loop3A_391 = tpu.vector_load %arg9[%parallel_loop3A_390] {strides = array<i32>} : memref<3072xf32, #tpu.memory_space<vmem>>, vector<16xf32>,
          %parallel_loop3A_392 = vector.shape_cast %parallel_loop3A_391 : vector<16xf32> to vector<16xf32>
          %parallel_loop3A_393 = arith.constant 0.000000e+00 : f32
          %parallel_loop3A_394 = vector.broadcast %parallel_loop3A_393 : f32 to vector<16xf32>
          %parallel_loop3A_395 = arith.select %parallel_loop3A_381, %parallel_loop3A_392, %parallel_loop3A_394 : vector<16xi1>, vector<16xf32>
          %parallel_loop3A_396 = arith.index_cast %parallel_loop3A_359 : i32 to index
          %parallel_loop3A_397 = tpu.vector_load %arg9[%parallel_loop3A_396] {strides = array<i32>} : memref<3072xf32, #tpu.memory_space<vmem>>, vector<16xf32>,
          %parallel_loop3A_398 = vector.shape_cast %parallel_loop3A_397 : vector<16xf32> to vector<16xf32>
          %parallel_loop3A_399 = vector.shape_cast %parallel_loop3A_395 : vector<16xf32> to vector<16xf32>
          tpu.vector_store %arg9[%parallel_loop3A_396], %parallel_loop3A_399 {strides = array<i32>} : memref<3072xf32, #tpu.memory_space<vmem>>, vector<16xf32>,
        } {sc.loop_unroll_factor = 1 : i64, sc.parallel_access}
        %dma_start3A_144 = arith.constant 0 : i32
        %dma_start3A_145 = tpu.memref_slice %arg12[%dma_start3A_144] : memref<1769472xf32, #tpu.memory_space<vmem_shared>> -> memref<1769472xf32, #tpu.memory_space<vmem_shared>>
        tpu.enqueue_indirect_dma source(%arg9 : memref<3072xf32, #tpu.memory_space<vmem>>) target(%dma_start3A_145 : memref<1769472xf32, #tpu.memory_space<vmem_shared>>) offsets(%arg11 : memref<3072xi32, #tpu.memory_space<vmem>>) semaphore(%arg15 : memref<!tpu.dma_semaphore, #tpu.memory_space<semaphore_mem>>) {add = true}
        %scan3A_146 = arith.constant 0 : i32
        scf.yield %scan3A_146 : i32
      }
      %scan3A_76 = arith.constant 36 : i32
      %dma_wait3A = arith.constant 0 : i32
      %dma_wait3A_77 = tpu.memref_slice %arg12[%dma_wait3A] : memref<1769472xf32, #tpu.memory_space<vmem_shared>> -> memref<1769472xf32, #tpu.memory_space<vmem_shared>>
      tpu.wait_indirect_dma semaphore(%arg15 : memref<!tpu.dma_semaphore, #tpu.memory_space<semaphore_mem>>) src(%arg9 : memref<3072xf32, #tpu.memory_space<vmem>>) dst(%dma_wait3A_77 : memref<1769472xf32, #tpu.memory_space<vmem_shared>>)
      %barrier3A_78 = arith.constant 0 : index
      tpu.barrier barrier_id(%barrier3A_78)
      %mul3A_79 = arith.constant 14155776 : i32
      %mul3A_80 = arith.muli %select_n3A, %mul3A_79 : i32
      %add3A_81 = arith.addi %mul3A_80, %mul3A_33 : i32
      %mul3A_82 = arith.constant 110592 : i32
      %mul3A_83 = arith.muli %arg1, %mul3A_82 : i32
      %add3A_84 = arith.addi %add3A_81, %mul3A_83 : i32
      %mul3A_85 = arith.constant 110592 : i32
      %mul3A_86 = arith.muli %arg1, %mul3A_85 : i32
      "tpu.region"() ({
        %run_scoped3A = tpu.sem_alloc : memref<!tpu.dma_semaphore, #tpu.memory_space<semaphore_mem>>
        %dma_start3A_93 = tpu.memref_slice %arg5[%add3A_84] : memref<56623104xf32, #tpu.memory_space<hbm>> -> memref<110592xf32, #tpu.memory_space<hbm>>
        %dma_start3A_94 = tpu.memref_slice %arg12[%mul3A_86] : memref<1769472xf32, #tpu.memory_space<vmem_shared>> -> memref<110592xf32, #tpu.memory_space<vmem_shared>>
        tpu.enqueue_dma source(%dma_start3A_94 : memref<110592xf32, #tpu.memory_space<vmem_shared>>) target(%dma_start3A_93 : memref<110592xf32, #tpu.memory_space<hbm>>) target_semaphore(%run_scoped3A : memref<!tpu.dma_semaphore, #tpu.memory_space<semaphore_mem>>)
        %dma_wait3A_95 = tpu.memref_slice %arg5[%add3A_84] : memref<56623104xf32, #tpu.memory_space<hbm>> -> memref<110592xf32, #tpu.memory_space<hbm>>
        %dma_wait3A_96 = tpu.memref_slice %arg12[%mul3A_86] : memref<1769472xf32, #tpu.memory_space<vmem_shared>> -> memref<110592xf32, #tpu.memory_space<vmem_shared>>
        tpu.wait_dma2 semaphore(%run_scoped3A : memref<!tpu.dma_semaphore, #tpu.memory_space<semaphore_mem>>) src(%dma_wait3A_96 : memref<110592xf32, #tpu.memory_space<vmem_shared>>) dst(%dma_wait3A_95 : memref<110592xf32, #tpu.memory_space<hbm>>)
        tpu.yield
      }) : () -> ()
      %mul3A_87 = arith.constant 110592 : i32
      %mul3A_88 = arith.muli %arg1, %mul3A_87 : i32
      %mul3A_89 = arith.constant 110592 : i32
      %mul3A_90 = arith.muli %arg1, %mul3A_89 : i32
      "tpu.region"() ({
        %run_scoped3A = tpu.sem_alloc : memref<!tpu.dma_semaphore, #tpu.memory_space<semaphore_mem>>
        %dma_start3A_93 = tpu.memref_slice %arg12[%mul3A_90] : memref<1769472xf32, #tpu.memory_space<vmem_shared>> -> memref<110592xf32, #tpu.memory_space<vmem_shared>>
        %dma_start3A_94 = tpu.memref_slice %arg4[%mul3A_88] : memref<1769472xf32, #tpu.memory_space<hbm>> -> memref<110592xf32, #tpu.memory_space<hbm>>
        tpu.enqueue_dma source(%dma_start3A_94 : memref<110592xf32, #tpu.memory_space<hbm>>) target(%dma_start3A_93 : memref<110592xf32, #tpu.memory_space<vmem_shared>>) target_semaphore(%run_scoped3A : memref<!tpu.dma_semaphore, #tpu.memory_space<semaphore_mem>>)
        %dma_wait3A_95 = tpu.memref_slice %arg12[%mul3A_90] : memref<1769472xf32, #tpu.memory_space<vmem_shared>> -> memref<110592xf32, #tpu.memory_space<vmem_shared>>
        %dma_wait3A_96 = tpu.memref_slice %arg4[%mul3A_88] : memref<1769472xf32, #tpu.memory_space<hbm>> -> memref<110592xf32, #tpu.memory_space<hbm>>
        tpu.wait_dma2 semaphore(%run_scoped3A : memref<!tpu.dma_semaphore, #tpu.memory_space<semaphore_mem>>) src(%dma_wait3A_96 : memref<110592xf32, #tpu.memory_space<hbm>>) dst(%dma_wait3A_95 : memref<110592xf32, #tpu.memory_space<vmem_shared>>)
        tpu.yield
      }) : () -> ()
      %barrier3A_91 = arith.constant 0 : index
      tpu.barrier barrier_id(%barrier3A_91)
      %scan3A_92 = arith.constant 0 : i32
      scf.yield %scan3A_92 : i32
    }
    %scan3A_8 = arith.constant 16 : i32
    return
  }
}

</mosaic_0001>

<sc_bundles>
// kernel: kernel.3.cloned.1.call-start
scs
__scs_entry_jumppad:
0x0: {  	(pc) =	sbr.rel $0x88, $3  }
0x1: {  	(tag) =	ssettag $0x0;
	lr =	simm.s32 $0x1  }
0x2: {  	[smem:$0x3F9F] =	sst lr;
	_ =	strace $0xD0000000  }
0x3: {  	_ = 	snop  }
0x4: {  	_ = 	snop  }
0x5: {  	_ = 	snop  }
0x6: {  	_ = 	snop  }
0x7: {  	_ = 	snop  }
__scs_overlays_trampoline_lowered:
0x8: {  	[smem:$0x3FAE] =	sst s0  }
0x9: {  	[smem:$0x3FAF] =	sst s1  }
0xa: {  	[smem:$0x3FB0] =	sst s2  }
0xb: {  	[smem:$0x3FB1] =	sst s3  }
0xc: {  	[smem:$0x3FB2] =	sst s4  }
0xd: {  	[smem:$0x3FB3] =	sst s5  }
0xe: {  	[smem:$0x3FB4] =	sst s6  }
0xf: {  	[smem:$0x3FB5] =	sst s7  }
0x10: {  	[smem:$0x3FB6] =	sst s8  }
0x11: {  	[smem:$0x3FB7] =	sst s9;
	s0 =	simm.s32 @!p0 $0x0  }
0x12: {  	s1 =	sld [smem:$0x3F9D];
	s0 =	simm.s32 @p0 $0x1  }
0x13: {  	[smem:$0x3FB8] =	sst s0;
	s0 =	simm.s32 @!p1 $0x0  }
0x14: {  	s2 =	sld [smem:$0x3F9C];
	s0 =	simm.s32 @p1 $0x1  }
0x15: {  	[smem:$0x3FB9] =	sst s0;
	s0 =	simm.s32 @!p2 $0x0  }
0x16: {  	s3 =	sld [smem:$0x3FDB];
	s0 =	simm.s32 @p2 $0x1  }
0x17: {  	s4 =	simm.s32 $0x1BF5;
	[smem:$0x3FBB] =	sst s0  }
0x18: {  	s0 =	sld [smem:$0x3F9E];
	_ =	swait.ge [sflag:s4], $0x0  }
0x19: {  	s7 =	sld [smem:$0x3F9F]  }
0x1a: {  	s8 =	sadd.s32 $0xFFFFE003, lr  }
0x1b: {  	s9 =	sadd.s32 $0xFFFFFEF7, lr;
	s5 =	simm.s32 $0xFFFFFFFF;
	p2 =	slt.u32 s8, $0xFFFFF086  }
0x1c: {  	p1 =	slt.u32 s9, $0xF7A;
	s5 =	simm.s32 @!p2 $0x0  }
0x1d: {  	s5 =	simm.s32 @p1 $0x1;
	p0 =	seq.s32 s7, s2  }
0x1e: {  	s7 =	smul.u32 @!p0 $0xF7A, s2;
	p2 =	seq.s32 @!p0 s5, $0x0  }
0x1f: {  	s9 =	smul.u32 $0xF7A, s1;
	s8 =	simm.s32 @!p0 $0x1BF5;
	p2 =	por !p2, p0  }
0x20: {  	[sflag:s8] =	ssyncset.s32 @!p0 $0xFFFFF086;
	s6 =	sadd.s32 @!p0 s3, s7;
	s7 =	simm.s32 @!p0 $0x108  }
0x21: {  	s3 =	sadd.s32 s3, s9;
	s6 =	sadd.s32 @!p0 $0x88, s6;
	s7 =	simm.s32 @p2 $0x1082  }
0x22: {  	[simem:s7], [sflag:s8] =	dma.local @!p0 [hbm:s6], $0xF7A  }
0x23: {  	s9 =	sor.u32 $0xD0000000, s2;
	s6 =	simm.s32 $0x108;
	_ =	swait.ge @!p0 [sflag:s8], $0x0  }
0x24: {  	s3 =	sadd.s32 $0x88, s3;
	s6 =	simm.s32 @!p1 $0x1082;
	[sflag:s4] =	ssyncset.s32 $0xFFFFF086  }
0x25: {  	[simem:s6], [sflag:s4] =	dma.local [hbm:s3], $0xF7A  }
0x26: {  	[smem:$0x3F9F] =	sst s1;
	(tag) =	ssettag s2;
	_ =	strace s9  }
0x27: {  	s1 =	sld [smem:$0x3FAF]  }
0x28: {  	s2 =	sld [smem:$0x3FB0]  }
0x29: {  	s4 =	sld [smem:$0x3FB2]  }
0x2a: {  	p0 =	seq.s32 s5, $0x0;
	s5 =	sld [smem:$0x3FB3]  }
0x2b: {  	s6 =	sld [smem:$0x3FB4]  }
0x2c: {  	s7 =	sld [smem:$0x3FB5]  }
0x2d: {  	s3 =	simm.s32 $0x108;
	s8 =	sld [smem:$0x3FB6]  }
0x2e: {  	s3 =	simm.s32 @!p0 $0x1082;
	s9 =	sld [smem:$0x3FB7]  }
0x2f: {  	lr =	sadd.s32 s0, s3;
	s0 =	sld [smem:$0x3FAE]  }
0x30: {  	s3 =	sld [smem:$0x3FB1]  }
0x31: {  	[smem:$0x3FBA] =	sst s10  }
0x32: {  	s10 =	sld [smem:$0x3FB8];
	_ =	sdelay $0x3  }
0x33: {  	p0 =	seq.s32 s10, $0x1;
	s10 =	sld [smem:$0x3FBA];
	_ =	sdelay $0x3  }
0x34: {  	[smem:$0x3FBA] =	sst s10  }
0x35: {  	s10 =	sld [smem:$0x3FB9];
	_ =	sdelay $0x3  }
0x36: {  	p1 =	seq.s32 s10, $0x1;
	s10 =	sld [smem:$0x3FBA];
	_ =	sdelay $0x3  }
0x37: {  	[smem:$0x3FBA] =	sst s10  }
0x38: {  	s10 =	sld [smem:$0x3FBB]  }
0x39: {  	_ = 	snop;
	(pc) =	sbr.ind lr, $3  }
0x3a: {  	_ = 	snop  }
0x3b: {  	_ = 	snop  }
0x3c: {  	p2 =	seq.s32 s10, $0x1;
	s10 =	sld [smem:$0x3FBA]  }
0x3d: {  	_ =	shalt  }
0x3e: {  	_ =	shalt  }
0x3f: {  	_ =	shalt  }
0x40: {  	_ =	shalt  }
0x41: {  	_ =	shalt  }
0x42: {  	_ =	shalt  }
0x43: {  	_ =	shalt  }
0x44: {  	_ =	shalt  }
0x45: {  	_ =	shalt  }
0x46: {  	_ =	shalt  }
0x47: {  	_ =	shalt  }
0x48: {  	_ =	shalt  }
0x49: {  	_ =	shalt  }
0x4a: {  	_ =	shalt  }
0x4b: {  	_ =	shalt  }
0x4c: {  	_ =	shalt  }
0x4d: {  	_ =	shalt  }
0x4e: {  	_ =	shalt  }
0x4f: {  	_ =	shalt  }
0x50: {  	_ =	shalt  }
0x51: {  	_ =	shalt  }
0x52: {  	_ =	shalt  }
0x53: {  	_ =	shalt  }
0x54: {  	_ =	shalt  }
0x55: {  	_ =	shalt  }
0x56: {  	_ =	shalt  }
0x57: {  	_ =	shalt  }
0x58: {  	_ =	shalt  }
0x59: {  	_ =	shalt  }
0x5a: {  	_ =	shalt  }
0x5b: {  	_ =	shalt  }
0x5c: {  	_ =	shalt  }
0x5d: {  	_ =	shalt  }
0x5e: {  	_ =	shalt  }
0x5f: {  	_ =	shalt  }
0x60: {  	_ =	shalt  }
0x61: {  	_ =	shalt  }
0x62: {  	_ =	shalt  }
0x63: {  	_ =	shalt  }
0x64: {  	_ =	shalt  }
0x65: {  	_ =	shalt  }
0x66: {  	_ =	shalt  }
0x67: {  	_ =	shalt  }
0x68: {  	_ =	shalt  }
0x69: {  	_ =	shalt  }
0x6a: {  	_ =	shalt  }
0x6b: {  	_ =	shalt  }
0x6c: {  	_ =	shalt  }
0x6d: {  	_ =	shalt  }
0x6e: {  	_ =	shalt  }
0x6f: {  	_ =	shalt  }
0x70: {  	_ =	shalt  }
0x71: {  	_ =	shalt  }
0x72: {  	_ =	shalt  }
0x73: {  	_ =	shalt  }
0x74: {  	_ =	shalt  }
0x75: {  	_ =	shalt  }
0x76: {  	_ =	shalt  }
0x77: {  	_ =	shalt  }
0x78: {  	_ =	shalt  }
0x79: {  	_ =	shalt  }
0x7a: {  	_ =	shalt  }
0x7b: {  	_ =	shalt  }
0x7c: {  	_ =	shalt  }
0x7d: {  	_ =	shalt  }
0x7e: {  	_ =	shalt  }
0x7f: {  	_ =	shalt  }
0x80: {  	_ =	shalt  }
0x81: {  	_ =	shalt  }
0x82: {  	_ =	shalt  }
0x83: {  	_ =	shalt  }
0x84: {  	_ =	shalt  }
0x85: {  	_ =	shalt  }
0x86: {  	_ =	shalt  }
0x87: {  	_ =	shalt  }
.Lfunc_end0:
.L_simem_size_0:
called_computation.1_lowered:
.L_overlay_start_0:
0x88: {  	s2 =	sld [smem:$0x3FD9]  }
0x89: {  	s3 =	sld [smem:$0x3FFE];
	_ =	sdelay $0x1  }
0x8a: {  	s1 =	srdreg.scid  }
0x8b: {  	s0 =	sand.u32 $0x1, s1  }
0x8c: {  	s17 =	sshll.u32 s0, $0xA;
	s2 =	sadd.s32 s3, s2  }
0x8d: {  	s2 =	sadd.s32 s2, s17  }
0x8e: {  	[smem:$0x3FC6] =	sst s2  }
0x8f: {  	_ = 	snop  }
0x90: {  	s2 =	sld [smem:$0x3FD0];
	(tm) =	ssettm $0x1  }
0x91: {  	s18 =	sld [smem:$0x3FFB];
	_ =	sdelay $0x3  }
0x92: {  	_ =	strace s18  }
0x93: {  	s3 =	sld [smem:$0x3FFC];
	_ =	sdelay $0x3  }
0x94: {  	_ =	strace s3  }
0x95: {  	s3 =	sld [smem:$0x3FFD];
	_ =	sdelay $0x3  }
0x96: {  	_ =	strace s3  }
0x97: {  	_ =	strace $0x8FFFFFFF  }
0x98: {  	s19 =	sld [smem:$0x3FDB];
	_ =	sdelay $0x1  }
0x99: {  	s4 =	simm.s32 $_scs_section_size  }
0x9a: {  	s5 =	simm.s32 $_size__tile_overlayer_lowered;
	s6 =	simm.s32 $_tile_overlayer_lowered  }
0x9b: {  	s22 =	simm.s32 $0x1BFF;
	s21 =	sshll.u32 s6, $0x1;
	s3 =	sadd.s32 s4, s19  }
0x9c: {  	s7 =	simm.s32 $0x0;
	s20 =	sshll.u32 s5, $0x1;
	s5 =	sadd.s32 s21, s3  }
0x9d: {  	[timem:s7], [sflag:s22] =	dma.local [hbm:s5], s20  }
0x9e: {  	_ =	swait.ge [sflag:s22], s20  }
0x9f: {  	s4 =	ssub.s32 $0x0, s20;
	[sflag:s22] =	ssyncset.done $0x0  }
0xa0: {  	[sflag:s22] =	ssyncadd.s32 s4;
	_ =	sdelay $0x1  }
0xa1: {  	s23 =	simm.s32 $0x1B8B  }
0xa2: {  	_ =	swait.ge [sflag:s23], $0x1  }
0xa3: {  	[sflag:s23] =	ssyncset.done $0x0  }
0xa4: {  	s25 =	simm.s32 $0x1B8E;
	s24 =	sld [smem:$0x3FFE];
	[sflag:s23] =	ssyncadd.s32 $0xFFFFFFFF  }
0xa5: {  	s26 =	simm.s32 $execute0_lowered;
	[smem:$0x3FD2] =	sst s25  }
0xa6: {  	s5 =	sshll.u32 s26, $0x1;
	_ =	strace $0x80000046;
	[dreg:$0x1] =	wrdreg $0xFFFFFFFF  }
0xa7: {  	s28 =	simm.s32 $_size_execute0_lowered;
	s3 =	sadd.s32 s3, s5;
	[dreg:$0x0] =	wrdreg $0x0  }
0xa8: {  	s5 =	sshll.u32 s28, $0x1;
	[dreg:$0x2] =	wrdreg s3  }
0xa9: {  	[dreg:$0x3] =	wrdreg s5  }
0xaa: {  	[dreg:$0x4] =	wrdreg $0xC0  }
0xab: {  	_ =	task [dreg:s7], $0x5FFFF  }
0xac: {  	[dreg:$0x1] =	wrdreg $0xFFFFFFFF  }
0xad: {  	[dreg:$0x0] =	wrdreg $0x60  }
0xae: {  	[dreg:$0x2] =	wrdreg s24  }
0xaf: {  	[dreg:$0x3] =	wrdreg s2  }
0xb0: {  	[dreg:$0x4] =	wrdreg $0x48000  }
0xb1: {  	[dreg:$0x5] =	wrdreg $0x9  }
0xb2: {  	_ =	task.clear_ibuf [dreg:s7], $0x6FFFF;
	_ =	strace $0x90000046  }
0xb3: {  	s29 =	simm.s32 $0x9;
	_ =	strace $0x80000048  }
0xb4: {  	_ =	swait.ge [sflag:s29], $0x1  }
0xb5: {  	[sflag:s29] =	ssyncadd.s32 $0xFFFFFFFF  }
0xb6: {  	_ =	strace $0x90000048  }
0xb7: {  	_ =	sfence  }
0xb8: {  	s30 =	sld [smem:$0x0];
	_ =	sdelay $0x2  }
0xb9: {  	s31 =	sshll.u32 s1, $0xD;
	s1 =	sshrl.u32 s1, $0x2  }
0xba: {  	s3 =	sand.u32 $0x4000, s31;
	s1 =	sadd.s32 s1, s30  }
0xbb: {  	s0 =	sor.u32 s3, s0;
	s1 =	sshll.u32 s1, $0x11  }
0xbc: {  	s0 =	sor.u32 s1, s0  }
0xbd: {  	s0 =	sadd.s32 $0x8F2B, s0  }
0xbe: {  	[sflag:s0] =	ssyncadd.remote.s32 $0x1  }
0xbf: {  	_ =	sfence.sel $0xFFFF  }
0xc0: {  	[dreg:$0x0] =	wrdreg $0xFFFFFFFF;
	(pc) =	sbr.abs _section_cstart, $3  }
0xc1: {  	[dreg:$0x1] =	wrdreg $0xFFFFFFFF  }
0xc2: {  	_ =	task.clear_ibuf [dreg:s7], $0x2FFFF;
	_ =	strace $0x9FFFFFFF  }
0xc3: {  	(tm) =	ssettm $0x7FFFFFFF  }
tec
execute0_lowered:
.L_overlay_start_1:
0x0: {  	(tag) =	ssettag $0x1  }
0x1: {  	s0 =	rddreg [dreg:$0x0]  }
0x2: {  	s8 =	rddreg [dreg:$0x2];
	s1 =	simm.s32 $0x0;
	s4 =	stileid.u32  }
0x3: {  	s21 =	srdreg.scid;
	s18 =	simm.s32 $0x1;
	s20 =	simm.s32 $0x2  }
0x4: {  	[smem:$0x7FF] =	sst s1;
	s3 =	smul.u32 $0x1B000, s4;
	s22 =	sadd.s32 $0x800, s0  }
0x5: {  	s2 =	sand.u32 $0x1, s21;
	_ =	strace $0x80000047;
	[dreg:$0x6] =	wrdreg s22  }
0x6: {  	s5 =	sadd.s32 $0x1B0800, s0;
	s26 =	sshll.u32 s4, $0x6;
	[dreg:$0x5] =	wrdreg s2  }
0x7: {  	s29 =	smul.u32 $0x36000, s4;
	s2 =	ssub.s32 $0x2, s2;
	[dreg:$0x7] =	wrdreg s5  }
0x8: {  	s28 =	sor.u32 $0x1C04, s26;
	s23 =	sshrl.u32 s3, $0x3;
	[dreg:$0x4] =	wrdreg s3  }
0x9: {  	s24 =	sshrl.u32 s2, $0x1;
	s25 =	sadd.s32 s3, s8;
	[dreg:$0x9] =	wrdreg s28  }
0xa: {  	[dreg:$0xa] =	wrdreg s29;
	s0 =	sadd.s32 s23, s0;
	s31 =	sshrl.u32 s25, $0x3  }
0xb: {  	s1 =	ssub.s32 s2, s24;
	s0 =	sadd.s32 $0x360800, s0;
	[dreg:$0xc] =	wrdreg s31  }
0xc: {  	s4 =	simm.s32 $0xC00;
	s30 =	smax.u32 s1, $0x1;
	[dreg:$0x8] =	wrdreg s0  }
0xd: {  	v0 =	vlaneseq.u32;
	s5 =	simm.s32 $0x2400;
	s1 =	simm.s32 $0x0;
	[dreg:$0xb] =	wrdreg s30  }
.LBB2_1:
0xe: {  	[dreg:$0xd] =	wrdreg s1  }
0xf: {  	s0 =	rddreg [dreg:$0x8]  }
0x10: {  	s30 =	rddreg [dreg:$0x9]  }
0x11: {  	s2 =	rddreg [dreg:$0xc];
	s31 =	simm.s32 $0x4  }
0x12: {  	[spmem:s2], [sflag:s30] =	dma.local [hbm:s0], $0x3600  }
0x13: {  	_ =	swait.ge [sflag:s31], $0x3600  }
0x14: {  	[sflag:s31] =	ssyncset.done $0x0  }
0x15: {  	[sflag:s31] =	ssyncadd.s32 $0xFFFFCA00  }
0x16: {  	s2 =	simm.s32 $0x0;
	[bflag:$0x0] =	sbarrier.arrive $0xFFFF  }
.LBB2_2:
0x17: {  	[dreg:$0xe] =	wrdreg s2  }
0x18: {  	s3 =	rddreg [dreg:$0xa]  }
0x19: {  	s17 =	rddreg [dreg:$0x5]  }
0x1a: {  	s1 =	sshrl.u32 s2, $0x2;
	s15 =	sshll.u32 s2, $0x1;
	s19 =	rddreg [dreg:$0x7]  }
0x1b: {  	s0 =	smul.u32 $0x360000, s1;
	[dreg:$0xf] =	wrdreg s1;
	s1 =	sshll.u32 s1, $0x3  }
0x1c: {  	s28 =	simm.s32 $0x0;
	s21 =	rddreg [dreg:$0x6];
	s1 =	ssub.s32 s15, s1  }
0x1d: {  	s22 =	simm.s32 $0x1800;
	s0 =	sadd.s32 s3, s0;
	s1 =	sor.u32 s17, s1  }
0x1e: {  	s16 =	sshrl.u32 s0, $0x3;
	s6 =	smul.u32 $0x1B0000, s1;
	s31 =	sor.u32 $0xC00, s0  }
0x1f: {  	s0 =	sor.u32 $0x1800, s0;
	s3 =	sadd.s32 s19, s16;
	[dreg:$0x11] =	wrdreg s31  }
0x20: {  	[tilespmem:s28], [sflag:$0x1] =	stream.linear.gather [hbm4b:s3+s28], $0xC00, $0x38;
	[tilespmem:$0x1F800] =	vst v63  }
0x21: {  	s1 =	sadd.s32 s21, s16;
	[dreg:$0x12] =	wrdreg s0;
	s23 =	ssub.s32 $0x0, s6  }
0x22: {  	s24 =	ssub.s32 $0x10, s6;
	s25 =	ssub.s32 $0x20, s6;
	s26 =	ssub.s32 $0x30, s6  }
0x23: {  	s29 =	ssub.s32 $0x40, s6;
	[dreg:$0x10] =	wrdreg s6;
	s30 =	ssub.s32 $0x50, s6;
	v1 =	vor.u32 s23, v0;
	v2 =	vor.u32 s24, v0;
	v3 =	vor.u32 s25, v0  }
0x24: {  	v4 =	vor.u32 s26, v0;
	v5 =	vor.u32 s29, v0;
	v6 =	vor.u32 s30, v0;
	[tilespmem:s22], [sflag:$0x1] =	stream.linear.gather [hbm4b:s1+s28], $0xC00, $0x38;
	[tilespmem:$0x1F800] =	vst v63  }
.LBB2_3:
0x25: {  	p0 =	seq.s32 s28, $0x0  }
0x26: {  	s0 =	simm.s32 @!p0 $0x3  }
0x27: {  	s31 =	smul.u32 $0x1800, s28;
	_ =	swait.ge @!p0 [sflag:s0], $0xC00  }
0x28: {  	s1 =	rddreg [dreg:$0x11]  }
0x29: {  	s2 =	simm.s32 $0x0;
	s1 =	sadd.s32 s31, s1  }
0x2a: {  	[sflag:s0] =	ssyncset.done @!p0 $0x0;
	s19 =	rddreg [dreg:$0x7];
	s1 =	sshrl.u32 s1, $0x3  }
0x2b: {  	s21 =	rddreg [dreg:$0x6];
	[sflag:s0] =	ssyncadd.s32 @!p0 $0xFFFFF400;
	s0 =	sadd.s32 s19, s1  }
0x2c: {  	[tilespmem:s4], [sflag:$0x2] =	stream.linear.gather [hbm4b:s0+s2], $0xC00, $0x38;
	[tilespmem:$0x1F800] =	vst v63  }
0x2d: {  	s0 =	sadd.s32 s21, s1  }
0x2e: {  	[tilespmem:s5], [sflag:$0x2] =	stream.linear.gather [hbm4b:s0+s2], $0xC00, $0x38;
	[tilespmem:$0x1F800] =	vst v63  }
0x2f: {  	_ =	swait.ge [sflag:s18], $0xC00  }
0x30: {  	[sflag:s18] =	ssyncset.done $0x0  }
0x31: {  	[sflag:s18] =	ssyncadd.s32 $0xFFFFF400  }
0x32: {  	_ =	swait.ge [sflag:s18], $0xC00  }
0x33: {  	[sflag:s18] =	ssyncset.done $0x0  }
0x34: {  	s22 =	simm.s32 $0x30;
	[sflag:s18] =	ssyncadd.s32 $0xFFFFF400  }
0x35: {  	v7 =	vld [tilespmem:s22+$0xFFFFFFD0];
	_ =	sdelay $0x4  }
0x36: {  	v7 =	vshra.s32 v7, $0x5  }
0x37: {  	v7 =	vcvt.s32.f32 v7;
	_ =	sdelay $0x1  }
0x38: {  	v7 =	vmul.f32 $3.333333430e-01, v7;
	_ =	sdelay $0x1  }
0x39: {  	v7 =	vadd.f32 $1.000000010e-01, v7;
	_ =	sdelay $0x1  }
0x3a: {  	v7 =	vtrunc.f32 v7  }
0x3b: {  	v7 =	vcvt.f32.s32 v7;
	_ =	sdelay $0x1  }
0x3c: {  	v7 =	vmul.u32 $0x60, v7;
	_ =	sdelay $0x1  }
0x3d: {  	v7 =	vadd.s32 v1, v7  }
0x3e: {  	vm0 =	vlt.u32 v7, $0x1B0000;
	v8 =	vand.u32 $0xFFFEF, v7  }
0x3f: {  	s5 =	simm.s32 $0x3030;
	v7 =	vsel vm0, v7, v8  }
0x40: {  	s0 =	simm.s32 $0x1830;
	[tilespmem:s5+$0xFFFFFFD0] =	vst v7  }
0x41: {  	v7 =	vld [tilespmem:s0+$0xFFFFFFD0]  }
0x42: {  	s3 =	simm.s32 $0x90  }
0x43: {  	v8 =	vld [tilespmem:s3+$0xFFFFFFD0];
	_ =	sdelay $0x2  }
0x44: {  	v7 =	vnsel vm0, $0x0, v7  }
0x45: {  	[tilespmem:s0+$0xFFFFFFD0] =	vst v7  }
0x46: {  	v8 =	vshra.s32 v8, $0x5;
	v7 =	vld [tilespmem:s22+$0xFFFFFFE0]  }
0x47: {  	v8 =	vcvt.s32.f32 v8;
	_ =	sdelay $0x1  }
0x48: {  	v8 =	vmul.f32 $3.333333430e-01, v8;
	_ =	sdelay $0x1  }
0x49: {  	v8 =	vadd.f32 $1.000000010e-01, v8;
	v7 =	vshra.s32 v7, $0x5  }
0x4a: {  	v7 =	vcvt.s32.f32 v7  }
0x4b: {  	v8 =	vtrunc.f32 v8  }
0x4c: {  	v8 =	vcvt.f32.s32 v8;
	v7 =	vmul.f32 $3.333333430e-01, v7;
	_ =	sdelay $0x1  }
0x4d: {  	v8 =	vmul.u32 $0x60, v8;
	v7 =	vadd.f32 $1.000000010e-01, v7;
	_ =	sdelay $0x1  }
0x4e: {  	v8 =	vadd.s32 v1, v8;
	v7 =	vtrunc.f32 v7  }
0x4f: {  	vm0 =	vlt.u32 v8, $0x1B0000;
	v9 =	vand.u32 $0xFFFEF, v8;
	v7 =	vcvt.f32.s32 v7  }
0x50: {  	s6 =	simm.s32 $0x3090;
	v8 =	vsel vm0, v8, v9  }
0x51: {  	s2 =	simm.s32 $0x1890;
	[tilespmem:s6+$0xFFFFFFD0] =	vst v8;
	v7 =	vmul.u32 $0x60, v7  }
0x52: {  	v8 =	vld [tilespmem:s2+$0xFFFFFFD0]  }
0x53: {  	v7 =	vadd.s32 v2, v7  }
0x54: {  	s16 =	simm.s32 $0xF0;
	vm1 =	vlt.u32 v7, $0x1B0000;
	v9 =	vand.u32 $0xFFFFF, v7  }
0x55: {  	v7 =	vsel vm1, v7, v9;
	v9 =	vld [tilespmem:s16+$0xFFFFFFD0]  }
0x56: {  	[tilespmem:s5+$0xFFFFFFE0] =	vst v7  }
0x57: {  	v8 =	vnsel vm0, $0x0, v8;
	v7 =	vld [tilespmem:s0+$0xFFFFFFE0]  }
0x58: {  	[tilespmem:s2+$0xFFFFFFD0] =	vst v8  }
0x59: {  	v8 =	vld [tilespmem:s3+$0xFFFFFFE0]  }
0x5a: {  	v9 =	vshra.s32 v9, $0x5  }
0x5b: {  	v9 =	vcvt.s32.f32 v9  }
0x5c: {  	v7 =	vnsel vm1, $0x0, v7  }
0x5d: {  	[tilespmem:s0+$0xFFFFFFE0] =	vst v7;
	v7 =	vmul.f32 $3.333333430e-01, v9  }
0x5e: {  	v8 =	vshra.s32 v8, $0x5;
	v9 =	vld [tilespmem:s22+$0xFFFFFFF0]  }
0x5f: {  	v8 =	vcvt.s32.f32 v8;
	v7 =	vadd.f32 $1.000000010e-01, v7;
	_ =	sdelay $0x1  }
0x60: {  	v8 =	vmul.f32 $3.333333430e-01, v8;
	v7 =	vtrunc.f32 v7  }
0x61: {  	v7 =	vcvt.f32.s32 v7  }
0x62: {  	v8 =	vadd.f32 $1.000000010e-01, v8;
	v9 =	vshra.s32 v9, $0x5  }
0x63: {  	v9 =	vcvt.s32.f32 v9;
	v7 =	vmul.u32 $0x60, v7  }
0x64: {  	v8 =	vtrunc.f32 v8  }
0x65: {  	v8 =	vcvt.f32.s32 v8;
	v9 =	vmul.f32 $3.333333430e-01, v9;
	v7 =	vadd.s32 v1, v7  }
0x66: {  	vm0 =	vlt.u32 v7, $0x1B0000;
	v10 =	vand.u32 $0xFFFEF, v7  }
0x67: {  	s23 =	simm.s32 $0x30F0;
	v8 =	vmul.u32 $0x60, v8;
	v9 =	vadd.f32 $1.000000010e-01, v9;
	v7 =	vsel vm0, v7, v10  }
0x68: {  	s12 =	simm.s32 $0x18F0;
	[tilespmem:s23+$0xFFFFFFD0] =	vst v7  }
0x69: {  	s13 =	simm.s32 $0x150;
	v8 =	vadd.s32 v2, v8;
	v7 =	vtrunc.f32 v9;
	v9 =	vld [tilespmem:s12+$0xFFFFFFD0]  }
0x6a: {  	vm1 =	vlt.u32 v8, $0x1B0000;
	v11 =	vand.u32 $0xFFFFF, v8;
	v10 =	vld [tilespmem:s13+$0xFFFFFFD0];
	v7 =	vcvt.f32.s32 v7  }
0x6b: {  	v8 =	vsel vm1, v8, v11  }
0x6c: {  	[tilespmem:s6+$0xFFFFFFE0] =	vst v8;
	v7 =	vmul.u32 $0x60, v7  }
0x6d: {  	v8 =	vld [tilespmem:s2+$0xFFFFFFE0]  }
0x6e: {  	v7 =	vadd.s32 v3, v7;
	v9 =	vnsel vm0, $0x0, v9  }
0x6f: {  	v10 =	vshra.s32 v10, $0x5;
	vm0 =	vlt.u32 v7, $0x1B0000;
	v11 =	vand.u32 $0xFFFEF, v7;
	[tilespmem:s12+$0xFFFFFFD0] =	vst v9  }
0x70: {  	v9 =	vcvt.s32.f32 v10;
	v7 =	vsel vm0, v7, v11;
	v10 =	vld [tilespmem:s16+$0xFFFFFFE0]  }
0x71: {  	[tilespmem:s5+$0xFFFFFFF0] =	vst v7  }
0x72: {  	v8 =	vnsel vm1, $0x0, v8;
	v9 =	vmul.f32 $3.333333430e-01, v9;
	v7 =	vld [tilespmem:s0+$0xFFFFFFF0]  }
0x73: {  	[tilespmem:s2+$0xFFFFFFE0] =	vst v8  }
0x74: {  	v8 =	vadd.f32 $1.000000010e-01, v9;
	v9 =	vld [tilespmem:s3+$0xFFFFFFF0]  }
0x75: {  	v10 =	vshra.s32 v10, $0x5  }
0x76: {  	v10 =	vcvt.s32.f32 v10  }
0x77: {  	v8 =	vtrunc.f32 v8;
	v7 =	vnsel vm0, $0x0, v7  }
0x78: {  	v8 =	vcvt.f32.s32 v8;
	[tilespmem:s0+$0xFFFFFFF0] =	vst v7;
	v7 =	vmul.f32 $3.333333430e-01, v10  }
0x79: {  	v9 =	vshra.s32 v9, $0x5;
	v10 =	vld [tilespmem:s22+$0x0]  }
0x7a: {  	v8 =	vmul.u32 $0x60, v8;
	v9 =	vcvt.s32.f32 v9;
	v7 =	vadd.f32 $1.000000010e-01, v7;
	_ =	sdelay $0x1  }
0x7b: {  	v8 =	vadd.s32 v1, v8;
	v9 =	vmul.f32 $3.333333430e-01, v9;
	v7 =	vtrunc.f32 v7  }
0x7c: {  	vm0 =	vlt.u32 v8, $0x1B0000;
	v11 =	vand.u32 $0xFFFEF, v8;
	v7 =	vcvt.f32.s32 v7  }
0x7d: {  	s11 =	simm.s32 $0x3150;
	s14 =	simm.s32 $0x1B0;
	v8 =	vsel vm0, v8, v11;
	v9 =	vadd.f32 $1.000000010e-01, v9;
	v10 =	vshra.s32 v10, $0x5  }
0x7e: {  	s1 =	simm.s32 $0x1950;
	v11 =	vld [tilespmem:s14+$0xFFFFFFD0];
	[tilespmem:s11+$0xFFFFFFD0] =	vst v8;
	v10 =	vcvt.s32.f32 v10;
	v7 =	vmul.u32 $0x60, v7  }
0x7f: {  	v8 =	vld [tilespmem:s1+$0xFFFFFFD0];
	v9 =	vtrunc.f32 v9  }
0x80: {  	v9 =	vcvt.f32.s32 v9;
	v10 =	vmul.f32 $3.333333430e-01, v10;
	v7 =	vadd.s32 v2, v7  }
0x81: {  	vm1 =	vlt.u32 v7, $0x1B0000;
	v12 =	vand.u32 $0xFFFFF, v7  }
0x82: {  	v9 =	vmul.u32 $0x60, v9;
	v10 =	vadd.f32 $1.000000010e-01, v10;
	v7 =	vsel vm1, v7, v12  }
0x83: {  	v11 =	vshra.s32 v11, $0x5;
	[tilespmem:s23+$0xFFFFFFE0] =	vst v7  }
0x84: {  	v8 =	vnsel vm0, $0x0, v8;
	v9 =	vadd.s32 v3, v9;
	v7 =	vtrunc.f32 v10;
	v10 =	vld [tilespmem:s12+$0xFFFFFFE0]  }
0x85: {  	[tilespmem:s1+$0xFFFFFFD0] =	vst v8;
	vm0 =	vlt.u32 v9, $0x1B0000;
	v8 =	vand.u32 $0xFFFEF, v9;
	v7 =	vcvt.f32.s32 v7  }
0x86: {  	v11 =	vcvt.s32.f32 v11;
	v12 =	vld [tilespmem:s13+$0xFFFFFFE0];
	v8 =	vsel vm0, v9, v8  }
0x87: {  	[tilespmem:s6+$0xFFFFFFF0] =	vst v8;
	v7 =	vmul.u32 $0x60, v7  }
0x88: {  	v8 =	vmul.f32 $3.333333430e-01, v11;
	v9 =	vld [tilespmem:s2+$0xFFFFFFF0]  }
0x89: {  	v10 =	vnsel vm1, $0x0, v10;
	v7 =	vadd.s32 v4, v7  }
0x8a: {  	v8 =	vadd.f32 $1.000000010e-01, v8;
	[tilespmem:s12+$0xFFFFFFE0] =	vst v10;
	vm1 =	vlt.u32 v7, $0x1B0000;
	v10 =	vand.u32 $0xFFFFF, v7  }
0x8b: {  	v11 =	vld [tilespmem:s16+$0xFFFFFFF0];
	v7 =	vsel vm1, v7, v10;
	v10 =	vshra.s32 v12, $0x5  }
0x8c: {  	[tilespmem:s5+$0x0] =	vst v7;
	v7 =	vtrunc.f32 v8;
	v8 =	vcvt.s32.f32 v10  }
0x8d: {  	v9 =	vnsel vm0, $0x0, v9;
	v7 =	vcvt.f32.s32 v7  }
0x8e: {  	v10 =	vld [tilespmem:s0+$0x0];
	[tilespmem:s2+$0xFFFFFFF0] =	vst v9;
	v8 =	vmul.f32 $3.333333430e-01, v8  }
0x8f: {  	v9 =	vld [tilespmem:s3+$0x0];
	v7 =	vmul.u32 $0x60, v7  }
0x90: {  	v11 =	vshra.s32 v11, $0x5;
	v8 =	vadd.f32 $1.000000010e-01, v8  }
0x91: {  	v11 =	vcvt.s32.f32 v11;
	v7 =	vadd.s32 v1, v7  }
0x92: {  	vm0 =	vlt.u32 v7, $0x1B0000;
	v8 =	vtrunc.f32 v8  }
0x93: {  	v12 =	vand.u32 $0xFFFEF, v7;
	v8 =	vcvt.f32.s32 v8;
	v11 =	vmul.f32 $3.333333430e-01, v11  }
0x94: {  	s24 =	simm.s32 $0x210;
	v10 =	vnsel vm1, $0x0, v10;
	v7 =	vsel vm0, v7, v12;
	v9 =	vshra.s32 v9, $0x5  }
0x95: {  	s10 =	simm.s32 $0x31B0;
	[tilespmem:s0+$0x0] =	vst v10;
	v12 =	vld [tilespmem:s24+$0xFFFFFFD0];
	v9 =	vcvt.s32.f32 v9;
	v8 =	vmul.u32 $0x60, v8;
	v11 =	vadd.f32 $1.000000010e-01, v11  }
0x96: {  	s9 =	simm.s32 $0x19B0;
	v10 =	vld [tilespmem:s22+$0x10];
	[tilespmem:s10+$0xFFFFFFD0] =	vst v7  }
0x97: {  	v7 =	vld [tilespmem:s9+$0xFFFFFFD0];
	v9 =	vmul.f32 $3.333333430e-01, v9;
	v8 =	vadd.s32 v2, v8;
	v11 =	vtrunc.f32 v11  }
0x98: {  	vm1 =	vlt.u32 v8, $0x1B0000;
	v13 =	vand.u32 $0xFFFFF, v8;
	v11 =	vcvt.f32.s32 v11  }
0x99: {  	v9 =	vadd.f32 $1.000000010e-01, v9;
	v8 =	vsel vm1, v8, v13  }
0x9a: {  	[tilespmem:s11+$0xFFFFFFE0] =	vst v8;
	v8 =	vmul.u32 $0x60, v11  }
0x9b: {  	v12 =	vshra.s32 v12, $0x5;
	v10 =	vshra.s32 v10, $0x5;
	v9 =	vtrunc.f32 v9;
	v11 =	vld [tilespmem:s1+$0xFFFFFFE0]  }
0x9c: {  	v7 =	vnsel vm0, $0x0, v7;
	v9 =	vcvt.f32.s32 v9;
	v8 =	vadd.s32 v3, v8  }
0x9d: {  	v10 =	vcvt.s32.f32 v10;
	[tilespmem:s9+$0xFFFFFFD0] =	vst v7;
	vm0 =	vlt.u32 v8, $0x1B0000;
	v7 =	vand.u32 $0xFFFEF, v8  }
0x9e: {  	v12 =	vcvt.s32.f32 v12;
	v13 =	vld [tilespmem:s14+$0xFFFFFFE0];
	v7 =	vsel vm0, v8, v7;
	v8 =	vmul.u32 $0x60, v9  }
0x9f: {  	[tilespmem:s23+$0xFFFFFFF0] =	vst v7;
	v7 =	vmul.f32 $3.333333430e-01, v10  }
0xa0: {  	v9 =	vmul.f32 $3.333333430e-01, v12;
	v10 =	vnsel vm1, $0x0, v11;
	v11 =	vld [tilespmem:s12+$0xFFFFFFF0];
	v8 =	vadd.s32 v4, v8  }
0xa1: {  	[tilespmem:s1+$0xFFFFFFE0] =	vst v10;
	vm1 =	vlt.u32 v8, $0x1B0000;
	v10 =	vand.u32 $0xFFFFF, v8;
	v7 =	vadd.f32 $1.000000010e-01, v7  }
0xa2: {  	v9 =	vadd.f32 $1.000000010e-01, v9;
	v12 =	vld [tilespmem:s13+$0xFFFFFFF0];
	v8 =	vsel vm1, v8, v10  }
0xa3: {  	v10 =	vshra.s32 v13, $0x5;
	[tilespmem:s6+$0x0] =	vst v8;
	v7 =	vtrunc.f32 v7  }
0xa4: {  	v8 =	vtrunc.f32 v9;
	v9 =	vcvt.s32.f32 v10;
	v10 =	vld [tilespmem:s2+$0x0]  }
0xa5: {  	v8 =	vcvt.f32.s32 v8;
	v7 =	vcvt.f32.s32 v7;
	v11 =	vnsel vm0, $0x0, v11  }
0xa6: {  	v9 =	vmul.f32 $3.333333430e-01, v9;
	[tilespmem:s12+$0xFFFFFFF0] =	vst v11  }
0xa7: {  	v8 =	vmul.u32 $0x60, v8;
	v7 =	vmul.u32 $0x60, v7;
	v11 =	vshra.s32 v12, $0x5;
	v12 =	vld [tilespmem:s16+$0x0]  }
0xa8: {  	v9 =	vadd.f32 $1.000000010e-01, v9;
	v11 =	vcvt.s32.f32 v11  }
0xa9: {  	v8 =	vadd.s32 v1, v8;
	v7 =	vadd.s32 v5, v7;
	v10 =	vnsel vm1, $0x0, v10  }
0xaa: {  	vm1 =	vlt.u32 v8, $0x1B0000;
	v13 =	vand.u32 $0xFFFEF, v8;
	v9 =	vtrunc.f32 v9  }
0xab: {  	vm0 =	vlt.u32 v7, $0x1B0000;
	v9 =	vcvt.f32.s32 v9;
	v11 =	vmul.f32 $3.333333430e-01, v11  }
0xac: {  	s26 =	simm.s32 $0x3210;
	v8 =	vsel vm1, v8, v13;
	[tilespmem:s2+$0x0] =	vst v10;
	v10 =	vshra.s32 v12, $0x5;
	v12 =	vand.u32 $0xFFFEF, v7  }
0xad: {  	s25 =	simm.s32 $0x1A10;
	v13 =	vld [tilespmem:s3+$0x10];
	[tilespmem:s26+$0xFFFFFFD0] =	vst v8;
	v9 =	vmul.u32 $0x60, v9;
	v11 =	vadd.f32 $1.000000010e-01, v11;
	v10 =	vcvt.s32.f32 v10  }
0xae: {  	v8 =	vld [tilespmem:s25+$0xFFFFFFD0];
	v7 =	vsel vm0, v7, v12  }
0xaf: {  	s15 =	simm.s32 $0x270;
	v9 =	vadd.s32 v2, v9;
	v11 =	vtrunc.f32 v11;
	v10 =	vmul.f32 $3.333333430e-01, v10  }
0xb0: {  	v12 =	vld [tilespmem:s15+$0xFFFFFFD0];
	vm2 =	vlt.u32 v9, $0x1B0000;
	v14 =	vand.u32 $0xFFFFF, v9;
	v11 =	vcvt.f32.s32 v11  }
0xb1: {  	[tilespmem:s5+$0x10] =	vst v7;
	v7 =	vsel vm2, v9, v14;
	v9 =	vadd.f32 $1.000000010e-01, v10  }
0xb2: {  	v10 =	vshra.s32 v13, $0x5;
	v13 =	vld [tilespmem:s0+$0x10];
	[tilespmem:s10+$0xFFFFFFE0] =	vst v7;
	v7 =	vmul.u32 $0x60, v11  }
0xb3: {  	v8 =	vnsel vm1, $0x0, v8;
	v11 =	vld [tilespmem:s9+$0xFFFFFFE0];
	v9 =	vtrunc.f32 v9  }
0xb4: {  	v10 =	vcvt.s32.f32 v10;
	v7 =	vadd.s32 v3, v7;
	v9 =	vcvt.f32.s32 v9  }
0xb5: {  	v12 =	vshra.s32 v12, $0x5;
	[tilespmem:s25+$0xFFFFFFD0] =	vst v8;
	vm1 =	vlt.u32 v7, $0x1B0000;
	v8 =	vand.u32 $0xFFFEF, v7  }
0xb6: {  	v12 =	vcvt.s32.f32 v12;
	v14 =	vld [tilespmem:s24+$0xFFFFFFE0];
	v7 =	vsel vm1, v7, v8;
	v8 =	vmul.u32 $0x60, v9  }
0xb7: {  	[tilespmem:s11+$0xFFFFFFF0] =	vst v7;
	v7 =	vmul.f32 $3.333333430e-01, v10;
	v9 =	vnsel vm0, $0x0, v13  }
0xb8: {  	v10 =	vmul.f32 $3.333333430e-01, v12;
	v11 =	vnsel vm2, $0x0, v11;
	v12 =	vld [tilespmem:s1+$0xFFFFFFF0];
	v8 =	vadd.s32 v4, v8  }
0xb9: {  	[tilespmem:s9+$0xFFFFFFE0] =	vst v11;
	v7 =	vadd.f32 $1.000000010e-01, v7;
	vm0 =	vlt.u32 v8, $0x1B0000;
	v11 =	vand.u32 $0xFFFFF, v8  }
0xba: {  	[tilespmem:s0+$0x10] =	vst v9;
	v9 =	vadd.f32 $1.000000010e-01, v10;
	v10 =	vld [tilespmem:s14+$0xFFFFFFF0];
	v8 =	vsel vm0, v8, v11  }
0xbb: {  	v13 =	vshra.s32 v14, $0x5;
	v11 =	vld [tilespmem:s22+$0x20];
	v7 =	vtrunc.f32 v7;
	[tilespmem:s23+$0x0] =	vst v8  }
0xbc: {  	v8 =	vtrunc.f32 v9;
	v9 =	vcvt.s32.f32 v13;
	v13 =	vld [tilespmem:s12+$0x0]  }
0xbd: {  	v7 =	vcvt.f32.s32 v7;
	v8 =	vcvt.f32.s32 v8;
	v12 =	vnsel vm1, $0x0, v12  }
0xbe: {  	v9 =	vmul.f32 $3.333333430e-01, v9;
	[tilespmem:s1+$0xFFFFFFF0] =	vst v12  }
0xbf: {  	v7 =	vmul.u32 $0x60, v7;
	v8 =	vmul.u32 $0x60, v8;
	v10 =	vshra.s32 v10, $0x5;
	v12 =	vld [tilespmem:s13+$0x0]  }
0xc0: {  	v11 =	vshra.s32 v11, $0x5;
	v9 =	vadd.f32 $1.000000010e-01, v9;
	v10 =	vcvt.s32.f32 v10  }
0xc1: {  	v7 =	vadd.s32 v5, v7;
	v8 =	vadd.s32 v1, v8;
	v13 =	vnsel vm0, $0x0, v13  }
0xc2: {  	vm1 =	vlt.u32 v8, $0x1B0000;
	v14 =	vand.u32 $0xFFFEF, v8;
	v9 =	vtrunc.f32 v9  }
0xc3: {  	v10 =	vmul.f32 $3.333333430e-01, v10;
	vm0 =	vlt.u32 v7, $0x1B0000;
	v9 =	vcvt.f32.s32 v9  }
0xc4: {  	v8 =	vsel vm1, v8, v14;
	[tilespmem:s12+$0x0] =	vst v13;
	v13 =	vand.u32 $0xFFFEF, v7;
	v12 =	vshra.s32 v12, $0x5  }
0xc5: {  	s4 =	simm.s32 $0x2D0;
	s22 =	simm.s32 $0x3270;
	v14 =	vld [tilespmem:s16+$0x10];
	v10 =	vadd.f32 $1.000000010e-01, v10;
	v9 =	vmul.u32 $0x60, v9;
	v12 =	vcvt.s32.f32 v12  }
0xc6: {  	s19 =	simm.s32 $0x1A70;
	v11 =	vcvt.s32.f32 v11;
	[tilespmem:s22+$0xFFFFFFD0] =	vst v8;
	v7 =	vsel vm0, v7, v13;
	v13 =	vld [tilespmem:s4+$0xFFFFFFD0]  }
0xc7: {  	v8 =	vld [tilespmem:s19+$0xFFFFFFD0];
	v10 =	vtrunc.f32 v10;
	v9 =	vadd.s32 v2, v9;
	v12 =	vmul.f32 $3.333333430e-01, v12  }
0xc8: {  	v10 =	vcvt.f32.s32 v10;
	vm2 =	vlt.u32 v9, $0x1B0000;
	v15 =	vand.u32 $0xFFFFF, v9  }
0xc9: {  	[tilespmem:s6+$0x10] =	vst v7;
	v7 =	vsel vm2, v9, v15;
	v9 =	vadd.f32 $1.000000010e-01, v12  }
0xca: {  	v11 =	vmul.f32 $3.333333430e-01, v11;
	v12 =	vshra.s32 v14, $0x5;
	v14 =	vld [tilespmem:s2+$0x10];
	[tilespmem:s26+$0xFFFFFFE0] =	vst v7;
	v7 =	vmul.u32 $0x60, v10  }
0xcb: {  	v13 =	vshra.s32 v13, $0x5;
	v10 =	vcvt.s32.f32 v12;
	v12 =	vld [tilespmem:s25+$0xFFFFFFE0];
	v9 =	vtrunc.f32 v9  }
0xcc: {  	v8 =	vnsel vm1, $0x0, v8;
	v7 =	vadd.s32 v3, v7;
	v9 =	vcvt.f32.s32 v9  }
0xcd: {  	v13 =	vcvt.s32.f32 v13;
	[tilespmem:s19+$0xFFFFFFD0] =	vst v8;
	vm1 =	vlt.u32 v7, $0x1B0000;
	v8 =	vand.u32 $0xFFFEF, v7  }
0xce: {  	v15 =	vld [tilespmem:s15+$0xFFFFFFE0];
	v7 =	vsel vm1, v7, v8;
	v8 =	vmul.u32 $0x60, v9  }
0xcf: {  	v9 =	vadd.f32 $1.000000010e-01, v11;
	v11 =	vmul.f32 $3.333333430e-01, v13;
	[tilespmem:s10+$0xFFFFFFF0] =	vst v7;
	v7 =	vmul.f32 $3.333333430e-01, v10  }
0xd0: {  	v10 =	vnsel vm0, $0x0, v14;
	v12 =	vnsel vm2, $0x0, v12;
	v13 =	vld [tilespmem:s9+$0xFFFFFFF0];
	v8 =	vadd.s32 v4, v8  }
0xd1: {  	[tilespmem:s25+$0xFFFFFFE0] =	vst v12;
	vm0 =	vlt.u32 v8, $0x1B0000;
	v12 =	vand.u32 $0xFFFFF, v8;
	v7 =	vadd.f32 $1.000000010e-01, v7  }
0xd2: {  	[tilespmem:s2+$0x10] =	vst v10;
	v10 =	vadd.f32 $1.000000010e-01, v11;
	v11 =	vld [tilespmem:s24+$0xFFFFFFF0];
	v8 =	vsel vm0, v8, v12  }
0xd3: {  	v9 =	vtrunc.f32 v9;
	v14 =	vshra.s32 v15, $0x5;
	v12 =	vld [tilespmem:s3+$0x20];
	[tilespmem:s11+$0x0] =	vst v8;
	v7 =	vtrunc.f32 v7  }
0xd4: {  	v8 =	vtrunc.f32 v10;
	v10 =	vcvt.s32.f32 v14;
	v14 =	vld [tilespmem:s1+$0x0]  }
0xd5: {  	v8 =	vcvt.f32.s32 v8;
	v7 =	vcvt.f32.s32 v7;
	v13 =	vnsel vm1, $0x0, v13  }
0xd6: {  	v9 =	vcvt.f32.s32 v9;
	v10 =	vmul.f32 $3.333333430e-01, v10;
	[tilespmem:s9+$0xFFFFFFF0] =	vst v13  }
0xd7: {  	v8 =	vmul.u32 $0x60, v8;
	v7 =	vmul.u32 $0x60, v7;
	v11 =	vshra.s32 v11, $0x5;
	v13 =	vld [tilespmem:s14+$0x0]  }
0xd8: {  	v12 =	vshra.s32 v12, $0x5;
	v10 =	vadd.f32 $1.000000010e-01, v10;
	v11 =	vcvt.s32.f32 v11  }
0xd9: {  	v8 =	vadd.s32 v1, v8;
	v7 =	vadd.s32 v5, v7;
	v14 =	vnsel vm0, $0x0, v14  }
0xda: {  	vm1 =	vlt.u32 v8, $0x1B0000;
	v15 =	vand.u32 $0xFFFEF, v8;
	v10 =	vtrunc.f32 v10  }
0xdb: {  	vm0 =	vlt.u32 v7, $0x1B0000;
	v10 =	vcvt.f32.s32 v10;
	v11 =	vmul.f32 $3.333333430e-01, v11  }
0xdc: {  	v8 =	vsel vm1, v8, v15;
	[tilespmem:s1+$0x0] =	vst v14;
	v14 =	vand.u32 $0xFFFEF, v7;
	v13 =	vshra.s32 v13, $0x5  }
0xdd: {  	s17 =	simm.s32 $0x32D0;
	s30 =	simm.s32 $0x330;
	v15 =	vld [tilespmem:s13+$0x10];
	v10 =	vmul.u32 $0x60, v10;
	v11 =	vadd.f32 $1.000000010e-01, v11;
	v13 =	vcvt.s32.f32 v13  }
0xde: {  	s3 =	simm.s32 $0x1AD0;
	v9 =	vmul.u32 $0x60, v9;
	v12 =	vcvt.s32.f32 v12;
	[tilespmem:s17+$0xFFFFFFD0] =	vst v8;
	v7 =	vsel vm0, v7, v14;
	v14 =	vld [tilespmem:s30+$0xFFFFFFD0]  }
0xdf: {  	v8 =	vld [tilespmem:s3+$0xFFFFFFD0];
	v10 =	vadd.s32 v2, v10;
	v11 =	vtrunc.f32 v11;
	v13 =	vmul.f32 $3.333333430e-01, v13  }
0xe0: {  	vm2 =	vlt.u32 v10, $0x1B0000;
	v16 =	vand.u32 $0xFFFFF, v10;
	v11 =	vcvt.f32.s32 v11  }
0xe1: {  	v12 =	vmul.f32 $3.333333430e-01, v12;
	[tilespmem:s23+$0x10] =	vst v7;
	v10 =	vsel vm2, v10, v16;
	v13 =	vadd.f32 $1.000000010e-01, v13  }
0xe2: {  	v7 =	vadd.s32 v6, v9;
	v9 =	vshra.s32 v15, $0x5;
	v15 =	vld [tilespmem:s12+$0x10];
	[tilespmem:s22+$0xFFFFFFE0] =	vst v10;
	v10 =	vmul.u32 $0x60, v11  }
0xe3: {  	v14 =	vshra.s32 v14, $0x5;
	v11 =	vadd.f32 $1.000000010e-01, v12;
	v12 =	vld [tilespmem:s19+$0xFFFFFFE0];
	v13 =	vtrunc.f32 v13  }
0xe4: {  	v8 =	vnsel vm1, $0x0, v8;
	v10 =	vadd.s32 v3, v10;
	v13 =	vcvt.f32.s32 v13  }
0xe5: {  	v9 =	vcvt.s32.f32 v9;
	[tilespmem:s3+$0xFFFFFFD0] =	vst v8;
	vm1 =	vlt.u32 v10, $0x1B0000;
	v8 =	vand.u32 $0xFFFEF, v10  }
0xe6: {  	v14 =	vcvt.s32.f32 v14;
	v16 =	vld [tilespmem:s4+$0xFFFFFFE0];
	v8 =	vsel vm1, v10, v8;
	v10 =	vmul.u32 $0x60, v13  }
0xe7: {  	v11 =	vtrunc.f32 v11;
	[tilespmem:s26+$0xFFFFFFF0] =	vst v8;
	v8 =	vmul.f32 $3.333333430e-01, v9;
	v9 =	vnsel vm0, $0x0, v15  }
0xe8: {  	v13 =	vmul.f32 $3.333333430e-01, v14;
	v12 =	vnsel vm2, $0x0, v12;
	v14 =	vld [tilespmem:s25+$0xFFFFFFF0];
	[tilespmem:s12+$0x10] =	vst v9;
	v10 =	vadd.s32 v4, v10  }
0xe9: {  	[tilespmem:s19+$0xFFFFFFE0] =	vst v12;
	v8 =	vadd.f32 $1.000000010e-01, v8;
	v12 =	vld [tilespmem:s16+$0x20];
	vm2 =	vlt.u32 v10, $0x1B0000;
	v9 =	vand.u32 $0xFFFFF, v10  }
0xea: {  	v13 =	vadd.f32 $1.000000010e-01, v13;
	v15 =	vld [tilespmem:s15+$0xFFFFFFF0];
	v9 =	vsel vm2, v10, v9;
	v10 =	vcvt.f32.s32 v11  }
0xeb: {  	vm0 =	vlt.u32 v7, $0x1B0000;
	v11 =	vshra.s32 v16, $0x5;
	v8 =	vtrunc.f32 v8;
	[tilespmem:s10+$0x0] =	vst v9  }
0xec: {  	v9 =	vtrunc.f32 v13;
	v11 =	vcvt.s32.f32 v11;
	v13 =	vld [tilespmem:s9+$0x0];
	v10 =	vmul.u32 $0x60, v10  }
0xed: {  	v16 =	vcvt.f32.s32 v8;
	v9 =	vcvt.f32.s32 v9;
	v14 =	vnsel vm1, $0x0, v14  }
0xee: {  	v11 =	vmul.f32 $3.333333430e-01, v11;
	[tilespmem:s25+$0xFFFFFFF0] =	vst v14;
	v12 =	vshra.s32 v12, $0x5;
	v8 =	vadd.s32 v6, v10  }
0xef: {  	v10 =	vmul.u32 $0x60, v9;
	v9 =	vshra.s32 v15, $0x5;
	v14 =	vld [tilespmem:s24+$0x0];
	v15 =	vmul.u32 $0x60, v16  }
0xf0: {  	v11 =	vadd.f32 $1.000000010e-01, v11;
	v16 =	vcvt.s32.f32 v9;
	v9 =	vcvt.s32.f32 v12  }
0xf1: {  	v12 =	vadd.s32 v1, v10;
	v10 =	vadd.s32 v5, v15;
	v13 =	vnsel vm2, $0x0, v13  }
0xf2: {  	vm3 =	vlt.u32 v12, $0x1B0000;
	v15 =	vand.u32 $0xFFFEF, v12;
	v11 =	vtrunc.f32 v11  }
0xf3: {  	v18 =	vmul.f32 $3.333333430e-01, v16;
	vm1 =	vlt.u32 v10, $0x1B0000;
	v17 =	vcvt.f32.s32 v11  }
0xf4: {  	s29 =	simm.s32 $0x1B30;
	s7 =	simm.s32 $0x390;
	v15 =	vsel vm3, v12, v15;
	[tilespmem:s9+$0x0] =	vst v13;
	v11 =	vand.u32 $0xFFFEF, v10;
	v13 =	vshra.s32 v14, $0x5  }
0xf5: {  	s21 =	simm.s32 $0x300;
	s16 =	simm.s32 $0x3330;
	v12 =	vld [tilespmem:s14+$0x10];
	v14 =	vadd.f32 $1.000000010e-01, v18;
	v16 =	vmul.u32 $0x60, v17;
	v13 =	vcvt.s32.f32 v13  }
.LBB2_4:
0xf6: {  	v10 =	vsel vm1, v10, v11  }
0xf7: {  	s21 =	sadd.s32 $0x60, s21;
	[tilespmem:s16+$0xFFFFFFD0] =	vst v15;
	v9 =	vmul.f32 $3.333333430e-01, v9;
	v11 =	vand.u32 $0xFFFFF, v7;
	vm2 =	vmmov vm0  }
0xf8: {  	p0 =	slt.u32 s21, $0xBA0;
	v15 =	vld [tilespmem:s29+$0xFFFFFFD0];
	v16 =	vadd.s32 v2, v16;
	v14 =	vtrunc.f32 v14;
	v13 =	vmul.f32 $3.333333430e-01, v13;
	[tilespmem:s11+$0x10] =	vst v10  }
0xf9: {  	v10 =	vld [tilespmem:s7+$0xFFFFFFD0];
	vm4 =	vlt.u32 v16, $0x1B0000;
	v17 =	vand.u32 $0xFFFFF, v16;
	v14 =	vcvt.f32.s32 v14  }
0xfa: {  	v12 =	vshra.s32 v12, $0x5;
	v16 =	vsel vm4, v16, v17;
	v13 =	vadd.f32 $1.000000010e-01, v13;
	v17 =	vld [tilespmem:s1+$0x10]  }
0xfb: {  	v9 =	vadd.f32 $1.000000010e-01, v9;
	v12 =	vcvt.s32.f32 v12;
	[tilespmem:s17+$0xFFFFFFE0] =	vst v16;
	v14 =	vmul.u32 $0x60, v14  }
0xfc: {  	vm0 =	vlt.u32 v8, $0x1B0000;
	v11 =	vsel vm2, v7, v11;
	v7 =	vmovc v8;
	v16 =	vld [tilespmem:s3+$0xFFFFFFE0];
	v13 =	vtrunc.f32 v13  }
0xfd: {  	v8 =	vnsel vm3, $0x0, v15;
	v14 =	vadd.s32 v3, v14;
	v13 =	vcvt.f32.s32 v13;
	[tilespmem:s5+$0x20] =	vst v11;
	s5 =	smov.u32 s6;
	s6 =	smov.u32 s23;
	s23 =	smov.u32 s11  }
0xfe: {  	s11 =	smov.u32 s10;
	s10 =	smov.u32 s26;
	s26 =	smov.u32 s22;
	v10 =	vshra.s32 v10, $0x5;
	[tilespmem:s29+$0xFFFFFFD0] =	vst v8;
	vm3 =	vlt.u32 v14, $0x1B0000;
	v8 =	vand.u32 $0xFFFEF, v14;
	v11 =	vld [tilespmem:s0+$0x20]  }
0xff: {  	s22 =	smov.u32 s17;
	s17 =	smov.u32 s16;
	v10 =	vcvt.s32.f32 v10;
	v15 =	vld [tilespmem:s30+$0xFFFFFFE0];
	v8 =	vsel vm3, v14, v8;
	v13 =	vmul.u32 $0x60, v13  }
0x100: {  	v9 =	vtrunc.f32 v9;
	[tilespmem:s26+$0xFFFFFFF0] =	vst v8;
	v8 =	vmul.f32 $3.333333430e-01, v12;
	v12 =	vnsel vm1, $0x0, v17  }
0x101: {  	v10 =	vmul.f32 $3.333333430e-01, v10;
	v14 =	vnsel vm4, $0x0, v16;
	v16 =	vld [tilespmem:s19+$0xFFFFFFF0];
	v13 =	vadd.s32 v4, v13;
	[tilespmem:s1+$0x10] =	vst v12  }
0x102: {  	[tilespmem:s3+$0xFFFFFFE0] =	vst v14;
	vm1 =	vlt.u32 v13, $0x1B0000;
	v12 =	vand.u32 $0xFFFFF, v13;
	v8 =	vadd.f32 $1.000000010e-01, v8;
	v14 =	vld [tilespmem:s13+$0x20];
	s13 =	smov.u32 s14;
	s14 =	smov.u32 s24;
	s24 =	smov.u32 s15  }
0x103: {  	v9 =	vcvt.f32.s32 v9;
	s15 =	smov.u32 s4;
	v10 =	vadd.f32 $1.000000010e-01, v10;
	v17 =	vld [tilespmem:s4+$0xFFFFFFF0];
	v12 =	vsel vm1, v13, v12;
	s4 =	smov.u32 s30;
	s30 =	smov.u32 s7  }
0x104: {  	v11 =	vnsel vm2, $0x0, v11;
	v13 =	vshra.s32 v15, $0x5;
	[tilespmem:s10+$0x0] =	vst v12;
	v8 =	vtrunc.f32 v8  }
0x105: {  	v9 =	vmul.u32 $0x60, v9;
	v10 =	vtrunc.f32 v10;
	v12 =	vcvt.s32.f32 v13;
	v13 =	vld [tilespmem:s25+$0x0];
	[tilespmem:s0+$0x20] =	vst v11;
	s0 =	smov.u32 s2;
	s2 =	smov.u32 s12;
	s12 =	smov.u32 s1  }
0x106: {  	v15 =	vcvt.f32.s32 v8;
	s1 =	smov.u32 s9;
	s9 =	smov.u32 s25;
	s25 =	smov.u32 s19;
	v10 =	vcvt.f32.s32 v10;
	v11 =	vnsel vm3, $0x0, v16  }
0x107: {  	v8 =	vadd.s32 v6, v9;
	s19 =	smov.u32 s3;
	s3 =	smov.u32 s29;
	v12 =	vmul.f32 $3.333333430e-01, v12;
	[tilespmem:s25+$0xFFFFFFF0] =	vst v11;
	v11 =	vshra.s32 v14, $0x5  }
0x108: {  	v15 =	vmul.u32 $0x60, v15;
	v10 =	vmul.u32 $0x60, v10;
	v9 =	vshra.s32 v17, $0x5;
	v14 =	vld [tilespmem:s24+$0x0]  }
0x109: {  	v12 =	vadd.f32 $1.000000010e-01, v12;
	v16 =	vcvt.s32.f32 v9;
	v9 =	vcvt.s32.f32 v11  }
.Ltmp0:
0x10a: {  	s16 =	sadd.s32 $0x60, s16;
	v11 =	vadd.s32 v1, v10;
	v13 =	vnsel vm1, $0x0, v13;
	v10 =	vadd.s32 v5, v15;
	(pc) =	sbr.rel @p0 .LBB2_4-.Ltmp0, $4  }
0x10b: {  	s29 =	sadd.s32 $0x60, s29;
	vm3 =	vlt.u32 v11, $0x1B0000;
	v15 =	vand.u32 $0xFFFEF, v11;
	v12 =	vtrunc.f32 v12;
	[tilespmem:s9+$0x0] =	vst v13  }
0x10c: {  	v17 =	vmul.f32 $3.333333430e-01, v16;
	v15 =	vsel vm3, v11, v15;
	v13 =	vcvt.f32.s32 v12;
	v12 =	vld [tilespmem:s14+$0x10]  }
0x10d: {  	vm1 =	vlt.u32 v10, $0x1B0000;
	v11 =	vand.u32 $0xFFFEF, v10;
	v18 =	vshra.s32 v14, $0x5  }
0x10e: {  	s7 =	sadd.s32 $0x60, s7;
	v14 =	vadd.f32 $1.000000010e-01, v17;
	v16 =	vmul.u32 $0x60, v13;
	v13 =	vcvt.s32.f32 v18  }
0x10f: {  	[tilespmem:s16+$0xFFFFFFD0] =	vst v15  }
0x110: {  	v15 =	vld [tilespmem:s29+$0xFFFFFFD0];
	_ =	sdelay $0x4  }
0x111: {  	v15 =	vnsel vm3, $0x0, v15  }
0x112: {  	[tilespmem:s29+$0xFFFFFFD0] =	vst v15  }
0x113: {  	v15 =	vld [tilespmem:s30+$0xFFFFFFE0];
	_ =	sdelay $0x4  }
0x114: {  	v15 =	vshra.s32 v15, $0x5  }
0x115: {  	v15 =	vcvt.s32.f32 v15;
	_ =	sdelay $0x1  }
0x116: {  	v15 =	vmul.f32 $3.333333430e-01, v15;
	_ =	sdelay $0x1  }
0x117: {  	v15 =	vadd.f32 $1.000000010e-01, v15;
	_ =	sdelay $0x1  }
0x118: {  	v15 =	vtrunc.f32 v15  }
0x119: {  	v15 =	vcvt.f32.s32 v15;
	_ =	sdelay $0x1  }
0x11a: {  	v15 =	vmul.u32 $0x60, v15  }
0x11b: {  	v16 =	vadd.s32 v2, v16  }
0x11c: {  	vm2 =	vlt.u32 v16, $0x1B0000;
	v17 =	vand.u32 $0xFFFFF, v16;
	v15 =	vadd.s32 v2, v15  }
0x11d: {  	v16 =	vsel vm2, v16, v17;
	vm3 =	vlt.u32 v15, $0x1B0000;
	v17 =	vand.u32 $0xFFFFF, v15  }
0x11e: {  	[tilespmem:s17+$0xFFFFFFE0] =	vst v16;
	v15 =	vsel vm3, v15, v17  }
0x11f: {  	v16 =	vld [tilespmem:s3+$0xFFFFFFE0];
	[tilespmem:s16+$0xFFFFFFE0] =	vst v15  }
0x120: {  	v15 =	vld [tilespmem:s29+$0xFFFFFFE0];
	_ =	sdelay $0x3  }
0x121: {  	v16 =	vnsel vm2, $0x0, v16  }
0x122: {  	[tilespmem:s3+$0xFFFFFFE0] =	vst v16;
	v15 =	vnsel vm3, $0x0, v15  }
0x123: {  	v16 =	vld [tilespmem:s4+$0xFFFFFFF0];
	[tilespmem:s29+$0xFFFFFFE0] =	vst v15  }
0x124: {  	v15 =	vld [tilespmem:s30+$0xFFFFFFF0];
	_ =	sdelay $0x3  }
0x125: {  	v16 =	vshra.s32 v16, $0x5  }
0x126: {  	v16 =	vcvt.s32.f32 v16;
	v15 =	vshra.s32 v15, $0x5  }
0x127: {  	v15 =	vcvt.s32.f32 v15  }
0x128: {  	v16 =	vmul.f32 $3.333333430e-01, v16  }
0x129: {  	v14 =	vtrunc.f32 v14;
	v15 =	vmul.f32 $3.333333430e-01, v15  }
0x12a: {  	v14 =	vcvt.f32.s32 v14;
	v16 =	vadd.f32 $1.000000010e-01, v16  }
0x12b: {  	v15 =	vadd.f32 $1.000000010e-01, v15  }
0x12c: {  	v14 =	vmul.u32 $0x60, v14;
	v16 =	vtrunc.f32 v16  }
0x12d: {  	v16 =	vcvt.f32.s32 v16;
	v15 =	vtrunc.f32 v15  }
0x12e: {  	v14 =	vadd.s32 v3, v14;
	v15 =	vcvt.f32.s32 v15  }
0x12f: {  	vm2 =	vlt.u32 v14, $0x1B0000;
	v17 =	vand.u32 $0xFFFEF, v14;
	v16 =	vmul.u32 $0x60, v16  }
0x130: {  	v14 =	vsel vm2, v14, v17;
	v15 =	vmul.u32 $0x60, v15  }
0x131: {  	[tilespmem:s22+$0xFFFFFFF0] =	vst v14;
	v14 =	vadd.s32 v3, v16  }
0x132: {  	v16 =	vld [tilespmem:s19+$0xFFFFFFF0];
	v17 =	vand.u32 $0xFFFEF, v14;
	vm3 =	vlt.u32 v14, $0x1B0000;
	v15 =	vadd.s32 v3, v15  }
0x133: {  	v14 =	vsel vm3, v14, v17;
	vm4 =	vlt.u32 v15, $0x1B0000;
	v17 =	vand.u32 $0xFFFEF, v15  }
0x134: {  	[tilespmem:s17+$0xFFFFFFF0] =	vst v14;
	v14 =	vsel vm4, v15, v17  }
0x135: {  	v15 =	vld [tilespmem:s3+$0xFFFFFFF0];
	[tilespmem:s16+$0xFFFFFFF0] =	vst v14  }
0x136: {  	v14 =	vld [tilespmem:s29+$0xFFFFFFF0]  }
0x137: {  	v13 =	vmul.f32 $3.333333430e-01, v13;
	v16 =	vnsel vm2, $0x0, v16  }
0x138: {  	[tilespmem:s19+$0xFFFFFFF0] =	vst v16  }
0x139: {  	v13 =	vadd.f32 $1.000000010e-01, v13;
	v16 =	vld [tilespmem:s15+$0x0]  }
0x13a: {  	v15 =	vnsel vm3, $0x0, v15  }
0x13b: {  	v13 =	vtrunc.f32 v13;
	[tilespmem:s3+$0xFFFFFFF0] =	vst v15;
	v14 =	vnsel vm4, $0x0, v14  }
0x13c: {  	v13 =	vcvt.f32.s32 v13;
	v15 =	vld [tilespmem:s4+$0x0];
	[tilespmem:s29+$0xFFFFFFF0] =	vst v14  }
0x13d: {  	v14 =	vld [tilespmem:s30+$0x0]  }
0x13e: {  	v13 =	vmul.u32 $0x60, v13;
	v16 =	vshra.s32 v16, $0x5  }
0x13f: {  	v16 =	vcvt.s32.f32 v16  }
0x140: {  	v13 =	vadd.s32 v4, v13  }
0x141: {  	vm2 =	vlt.u32 v13, $0x1B0000;
	v16 =	vmul.f32 $3.333333430e-01, v16;
	v15 =	vshra.s32 v15, $0x5  }
0x142: {  	v17 =	vand.u32 $0xFFFFF, v13;
	v15 =	vcvt.s32.f32 v15;
	v14 =	vshra.s32 v14, $0x5  }
0x143: {  	v16 =	vadd.f32 $1.000000010e-01, v16;
	v13 =	vsel vm2, v13, v17;
	v14 =	vcvt.s32.f32 v14  }
0x144: {  	[tilespmem:s26+$0x0] =	vst v13;
	v13 =	vmul.f32 $3.333333430e-01, v15  }
0x145: {  	v16 =	vtrunc.f32 v16;
	v15 =	vld [tilespmem:s25+$0x0];
	v14 =	vmul.f32 $3.333333430e-01, v14  }
0x146: {  	v16 =	vcvt.f32.s32 v16;
	v13 =	vadd.f32 $1.000000010e-01, v13  }
0x147: {  	v14 =	vadd.f32 $1.000000010e-01, v14  }
0x148: {  	v16 =	vmul.u32 $0x60, v16;
	v13 =	vtrunc.f32 v13  }
0x149: {  	v13 =	vcvt.f32.s32 v13;
	v14 =	vtrunc.f32 v14  }
0x14a: {  	v16 =	vadd.s32 v4, v16;
	v15 =	vnsel vm2, $0x0, v15;
	v14 =	vcvt.f32.s32 v14  }
0x14b: {  	vm2 =	vlt.u32 v16, $0x1B0000;
	[tilespmem:s25+$0x0] =	vst v15;
	v15 =	vand.u32 $0xFFFFF, v16;
	v13 =	vmul.u32 $0x60, v13  }
0x14c: {  	v12 =	vshra.s32 v12, $0x5;
	v17 =	vld [tilespmem:s24+$0x10];
	v15 =	vsel vm2, v16, v15;
	v14 =	vmul.u32 $0x60, v14  }
0x14d: {  	v12 =	vcvt.s32.f32 v12;
	[tilespmem:s22+$0x0] =	vst v15;
	v13 =	vadd.s32 v4, v13  }
0x14e: {  	v15 =	vld [tilespmem:s19+$0x0];
	vm3 =	vlt.u32 v13, $0x1B0000;
	v16 =	vand.u32 $0xFFFFF, v13;
	v14 =	vadd.s32 v4, v14  }
0x14f: {  	v13 =	vsel vm3, v13, v16;
	vm4 =	vlt.u32 v14, $0x1B0000;
	v16 =	vand.u32 $0xFFFFF, v14  }
0x150: {  	v12 =	vmul.f32 $3.333333430e-01, v12;
	[tilespmem:s17+$0x0] =	vst v13;
	v13 =	vsel vm4, v14, v16  }
0x151: {  	v14 =	vshra.s32 v17, $0x5;
	v16 =	vld [tilespmem:s3+$0x0];
	[tilespmem:s16+$0x0] =	vst v13  }
0x152: {  	v12 =	vadd.f32 $1.000000010e-01, v12;
	v13 =	vcvt.s32.f32 v14;
	v14 =	vld [tilespmem:s29+$0x0]  }
0x153: {  	v15 =	vnsel vm2, $0x0, v15  }
0x154: {  	v12 =	vtrunc.f32 v12;
	[tilespmem:s19+$0x0] =	vst v15;
	v13 =	vmul.f32 $3.333333430e-01, v13  }
0x155: {  	v10 =	vsel vm1, v10, v11;
	v11 =	vcvt.f32.s32 v12;
	v12 =	vld [tilespmem:s15+$0x10]  }
0x156: {  	[tilespmem:s11+$0x10] =	vst v10;
	v10 =	vadd.f32 $1.000000010e-01, v13;
	v13 =	vnsel vm3, $0x0, v16  }
0x157: {  	v11 =	vmul.u32 $0x60, v11;
	v15 =	vld [tilespmem:s1+$0x10];
	[tilespmem:s3+$0x0] =	vst v13;
	v13 =	vnsel vm4, $0x0, v14  }
0x158: {  	v10 =	vtrunc.f32 v10;
	v14 =	vld [tilespmem:s4+$0x10];
	[tilespmem:s29+$0x0] =	vst v13  }
0x159: {  	v11 =	vadd.s32 v5, v11;
	v10 =	vcvt.f32.s32 v10;
	v13 =	vld [tilespmem:s30+$0x10]  }
0x15a: {  	vm3 =	vlt.u32 v11, $0x1B0000;
	v12 =	vshra.s32 v12, $0x5  }
0x15b: {  	v16 =	vand.u32 $0xFFFEF, v11;
	v12 =	vcvt.s32.f32 v12;
	v10 =	vmul.u32 $0x60, v10  }
0x15c: {  	v9 =	vmul.f32 $3.333333430e-01, v9;
	v11 =	vsel vm3, v11, v16;
	v15 =	vnsel vm1, $0x0, v15  }
0x15d: {  	v12 =	vmul.f32 $3.333333430e-01, v12;
	v10 =	vadd.s32 v5, v10;
	v14 =	vshra.s32 v14, $0x5  }
0x15e: {  	[tilespmem:s1+$0x10] =	vst v15;
	vm1 =	vlt.u32 v10, $0x1B0000;
	v14 =	vcvt.s32.f32 v14;
	v13 =	vshra.s32 v13, $0x5  }
0x15f: {  	[tilespmem:s10+$0x10] =	vst v11;
	v15 =	vld [tilespmem:s13+$0x20];
	v11 =	vand.u32 $0xFFFEF, v10;
	v12 =	vadd.f32 $1.000000010e-01, v12;
	v13 =	vcvt.s32.f32 v13  }
0x160: {  	vm0 =	vmmov vm0;
	v10 =	vsel vm1, v10, v11;
	v11 =	vld [tilespmem:s9+$0x10];
	v14 =	vmul.f32 $3.333333430e-01, v14  }
0x161: {  	v9 =	vadd.f32 $1.000000010e-01, v9;
	v12 =	vtrunc.f32 v12;
	v13 =	vmul.f32 $3.333333430e-01, v13  }
0x162: {  	v16 =	vand.u32 $0xFFFFF, v7;
	v12 =	vcvt.f32.s32 v12;
	v14 =	vadd.f32 $1.000000010e-01, v14  }
0x163: {  	v9 =	vtrunc.f32 v9;
	v7 =	vsel vm0, v7, v16;
	[tilespmem:s26+$0x10] =	vst v10;
	v10 =	vadd.f32 $1.000000010e-01, v13  }
0x164: {  	v12 =	vmul.u32 $0x60, v12;
	v13 =	vshra.s32 v15, $0x5;
	v15 =	vld [tilespmem:s25+$0x10];
	v14 =	vtrunc.f32 v14  }
0x165: {  	v11 =	vnsel vm3, $0x0, v11;
	v14 =	vcvt.f32.s32 v14;
	v10 =	vtrunc.f32 v10  }
0x166: {  	v13 =	vcvt.s32.f32 v13;
	[tilespmem:s9+$0x10] =	vst v11;
	v11 =	vadd.s32 v5, v12;
	v10 =	vcvt.f32.s32 v10  }
0x167: {  	vm3 =	vlt.u32 v11, $0x1B0000;
	v16 =	vand.u32 $0xFFFEF, v11;
	v14 =	vmul.u32 $0x60, v14  }
0x168: {  	vm2 =	vlt.u32 v8, $0x1B0000;
	v12 =	vld [tilespmem:s14+$0x20];
	v11 =	vsel vm3, v11, v16;
	v10 =	vmul.u32 $0x60, v10  }
0x169: {  	v13 =	vmul.f32 $3.333333430e-01, v13;
	[tilespmem:s22+$0x10] =	vst v11;
	v15 =	vnsel vm1, $0x0, v15;
	v11 =	vadd.s32 v5, v14  }
0x16a: {  	[tilespmem:s5+$0x20] =	vst v7;
	v7 =	vld [tilespmem:s19+$0x10];
	vm1 =	vlt.u32 v11, $0x1B0000;
	v14 =	vand.u32 $0xFFFEF, v11;
	v10 =	vadd.s32 v5, v10  }
0x16b: {  	v16 =	vld [tilespmem:s0+$0x20];
	[tilespmem:s25+$0x10] =	vst v15;
	v11 =	vsel vm1, v11, v14;
	vm4 =	vlt.u32 v10, $0x1B0000;
	v14 =	vand.u32 $0xFFFEF, v10  }
0x16c: {  	v9 =	vcvt.f32.s32 v9;
	vm2 =	vmmov vm2;
	[tilespmem:s17+$0x10] =	vst v11;
	v11 =	vld [tilespmem:s24+$0x20];
	v10 =	vsel vm4, v10, v14  }
0x16d: {  	v13 =	vadd.f32 $1.000000010e-01, v13;
	v15 =	vand.u32 $0xFFFFF, v8;
	v12 =	vshra.s32 v12, $0x5;
	v14 =	vld [tilespmem:s3+$0x10];
	[tilespmem:s16+$0x10] =	vst v10  }
0x16e: {  	v8 =	vsel vm2, v8, v15;
	v12 =	vcvt.s32.f32 v12;
	v10 =	vld [tilespmem:s29+$0x10]  }
0x16f: {  	v9 =	vmul.u32 $0x60, v9;
	[tilespmem:s6+$0x20] =	vst v8;
	v8 =	vtrunc.f32 v13;
	v7 =	vnsel vm3, $0x0, v7  }
0x170: {  	v8 =	vcvt.f32.s32 v8;
	v12 =	vmul.f32 $3.333333430e-01, v12;
	[tilespmem:s19+$0x10] =	vst v7  }
0x171: {  	v9 =	vadd.s32 v6, v9;
	v7 =	vnsel vm0, $0x0, v16;
	v15 =	vld [tilespmem:s15+$0x20]  }
0x172: {  	v13 =	vld [tilespmem:s2+$0x20];
	v8 =	vmul.u32 $0x60, v8;
	v12 =	vadd.f32 $1.000000010e-01, v12;
	v14 =	vnsel vm1, $0x0, v14  }
0x173: {  	vm0 =	vlt.u32 v9, $0x1B0000;
	v11 =	vshra.s32 v11, $0x5;
	[tilespmem:s3+$0x10] =	vst v14;
	v10 =	vnsel vm4, $0x0, v10  }
0x174: {  	v8 =	vadd.s32 v6, v8;
	v12 =	vtrunc.f32 v12;
	v11 =	vcvt.s32.f32 v11;
	v14 =	vld [tilespmem:s4+$0x20];
	[tilespmem:s29+$0x10] =	vst v10  }
0x175: {  	vm0 =	vmmov vm0;
	vm1 =	vlt.u32 v8, $0x1B0000;
	v12 =	vcvt.f32.s32 v12;
	v16 =	vld [tilespmem:s30+$0x20]  }
0x176: {  	vm1 =	vmmov vm1;
	v11 =	vmul.f32 $3.333333430e-01, v11;
	v15 =	vshra.s32 v15, $0x5  }
0x177: {  	v10 =	vnsel vm2, $0x0, v13;
	v13 =	vand.u32 $0xFFFFF, v9;
	v15 =	vcvt.s32.f32 v15  }
0x178: {  	v12 =	vmul.u32 $0x60, v12;
	v9 =	vsel vm0, v9, v13;
	v11 =	vadd.f32 $1.000000010e-01, v11  }
0x179: {  	v13 =	vand.u32 $0xFFFFF, v8;
	v15 =	vmul.f32 $3.333333430e-01, v15;
	v14 =	vshra.s32 v14, $0x5  }
0x17a: {  	v11 =	vtrunc.f32 v11;
	v14 =	vcvt.s32.f32 v14;
	v16 =	vshra.s32 v16, $0x5  }
0x17b: {  	v11 =	vcvt.f32.s32 v11;
	v15 =	vadd.f32 $1.000000010e-01, v15;
	v16 =	vcvt.s32.f32 v16  }
0x17c: {  	v12 =	vadd.s32 v6, v12;
	v8 =	vsel vm1, v8, v13;
	v14 =	vmul.f32 $3.333333430e-01, v14  }
0x17d: {  	v11 =	vmul.u32 $0x60, v11;
	v15 =	vtrunc.f32 v15;
	v16 =	vmul.f32 $3.333333430e-01, v16  }
0x17e: {  	vm2 =	vlt.u32 v12, $0x1B0000;
	v13 =	vcvt.f32.s32 v15;
	v14 =	vadd.f32 $1.000000010e-01, v14  }
0x17f: {  	vm2 =	vmmov vm2;
	v11 =	vadd.s32 v6, v11;
	v16 =	vadd.f32 $1.000000010e-01, v16  }
0x180: {  	v15 =	vand.u32 $0xFFFFF, v12;
	v13 =	vmul.u32 $0x60, v13;
	v14 =	vtrunc.f32 v14  }
0x181: {  	vm3 =	vlt.u32 v11, $0x1B0000;
	v14 =	vcvt.f32.s32 v14;
	v16 =	vtrunc.f32 v16  }
0x182: {  	[tilespmem:s0+$0x20] =	vst v7;
	v7 =	vsel vm2, v12, v15;
	v12 =	vadd.s32 v6, v13;
	v13 =	vcvt.f32.s32 v16  }
0x183: {  	[tilespmem:s2+$0x20] =	vst v10;
	v10 =	vand.u32 $0xFFFFF, v11;
	vm3 =	vmmov vm3;
	v14 =	vmul.u32 $0x60, v14  }
0x184: {  	[tilespmem:s23+$0x20] =	vst v9;
	v9 =	vsel vm3, v11, v10;
	vm4 =	vlt.u32 v12, $0x1B0000;
	v10 =	vmul.u32 $0x60, v13  }
0x185: {  	[tilespmem:s11+$0x20] =	vst v8;
	v11 =	vld [tilespmem:s12+$0x20];
	vm4 =	vmmov vm4;
	v8 =	vadd.s32 v6, v14;
	v13 =	vand.u32 $0xFFFFF, v12  }
0x186: {  	[tilespmem:s10+$0x20] =	vst v7;
	v14 =	vld [tilespmem:s1+$0x20];
	vm5 =	vlt.u32 v8, $0x1B0000;
	v7 =	vsel vm4, v12, v13;
	v10 =	vadd.s32 v6, v10  }
0x187: {  	[tilespmem:s26+$0x20] =	vst v9;
	v12 =	vld [tilespmem:s9+$0x20];
	v9 =	vand.u32 $0xFFFFF, v8;
	vm5 =	vmmov vm5;
	vm6 =	vlt.u32 v10, $0x1B0000  }
0x188: {  	v13 =	vld [tilespmem:s25+$0x20];
	[tilespmem:s22+$0x20] =	vst v7;
	v7 =	vsel vm5, v8, v9;
	v8 =	vand.u32 $0xFFFFF, v10;
	vm6 =	vmmov vm6  }
0x189: {  	v9 =	vld [tilespmem:s19+$0x20];
	[tilespmem:s17+$0x20] =	vst v7;
	v7 =	vsel vm6, v10, v8  }
0x18a: {  	v8 =	vnsel vm0, $0x0, v11;
	v10 =	vld [tilespmem:s3+$0x20];
	[tilespmem:s16+$0x20] =	vst v7  }
0x18b: {  	v7 =	vnsel vm1, $0x0, v14;
	[tilespmem:s12+$0x20] =	vst v8;
	v8 =	vld [tilespmem:s29+$0x20]  }
0x18c: {  	[tilespmem:s1+$0x20] =	vst v7;
	v7 =	vnsel vm2, $0x0, v12  }
0x18d: {  	[tilespmem:s9+$0x20] =	vst v7;
	v7 =	vnsel vm3, $0x0, v13  }
0x18e: {  	[tilespmem:s25+$0x20] =	vst v7;
	v7 =	vnsel vm4, $0x0, v9  }
0x18f: {  	[tilespmem:s19+$0x20] =	vst v7;
	v7 =	vnsel vm5, $0x0, v10  }
0x190: {  	[tilespmem:s3+$0x20] =	vst v7;
	v7 =	vnsel vm6, $0x0, v8  }
0x191: {  	s14 =	simm.s32 $0x1800;
	s15 =	simm.s32 $0xC00;
	s16 =	simm.s32 $0x3000;
	[tilespmem:s29+$0x20] =	vst v7  }
0x192: {  	[spmem:s8] =	stream.indirect.scatter.add.f32 [tilespmem:s14], [sflag:$0x3], $0x1, s16, s15, $0xb8;
	[tilespmem:$0x1F800] =	vst v63  }
0x193: {  	_ =	swait.ge [sflag:s20], $0xC00  }
0x194: {  	[sflag:s20] =	ssyncset.done $0x0  }
0x195: {  	[sflag:s20] =	ssyncadd.s32 $0xFFFFF400  }
0x196: {  	_ =	swait.ge [sflag:s20], $0xC00  }
0x197: {  	[sflag:s20] =	ssyncset.done $0x0  }
0x198: {  	s17 =	simm.s32 $0x3;
	[sflag:s20] =	ssyncadd.s32 $0xFFFFF400  }
0x199: {  	_ =	swait.ge [sflag:s17], $0xC00  }
0x19a: {  	p0 =	seq.s32 s28, $0x23;
	s0 =	rddreg [dreg:$0x12]  }
0x19b: {  	s0 =	sadd.s32 @!p0 s31, s0  }
0x19c: {  	[sflag:s17] =	ssyncset.done $0x0;
	s1 =	rddreg [dreg:$0x7];
	s0 =	sshrl.u32 @!p0 s0, $0x3  }
0x19d: {  	s2 =	simm.s32 @!p0 $0x0;
	[sflag:s17] =	ssyncadd.s32 $0xFFFFF400;
	s1 =	sadd.s32 @!p0 s1, s0  }
0x19e: {  	[tilespmem:s2], [sflag:$0x1] =	stream.linear.gather @!p0 [hbm4b:s1+s2], $0xC00, $0x38;
	[tilespmem:$0x1F800] =	vst v63  }
0x19f: {  	s1 =	rddreg [dreg:$0x6]  }
0x1a0: {  	s19 =	simm.s32 $0xC30;
	s0 =	sadd.s32 @!p0 s1, s0;
	s1 =	simm.s32 @!p0 $0x1800  }
0x1a1: {  	[tilespmem:s1], [sflag:$0x1] =	stream.linear.gather @!p0 [hbm4b:s0+s2], $0xC00, $0x38;
	[tilespmem:$0x1F800] =	vst v63  }
0x1a2: {  	v7 =	vld [tilespmem:s19+$0xFFFFFFD0];
	_ =	sdelay $0x4  }
0x1a3: {  	v7 =	vshra.s32 v7, $0x5  }
0x1a4: {  	v7 =	vcvt.s32.f32 v7;
	_ =	sdelay $0x1  }
0x1a5: {  	v7 =	vmul.f32 $3.333333430e-01, v7;
	_ =	sdelay $0x1  }
0x1a6: {  	v7 =	vadd.f32 $1.000000010e-01, v7;
	_ =	sdelay $0x1  }
0x1a7: {  	v7 =	vtrunc.f32 v7  }
0x1a8: {  	v7 =	vcvt.f32.s32 v7;
	_ =	sdelay $0x1  }
0x1a9: {  	v7 =	vmul.u32 $0x60, v7;
	_ =	sdelay $0x1  }
0x1aa: {  	v7 =	vadd.s32 v1, v7  }
0x1ab: {  	vm0 =	vlt.u32 v7, $0x1B0000;
	v8 =	vand.u32 $0xFFFEF, v7  }
0x1ac: {  	s31 =	simm.s32 $0x3C30;
	v7 =	vsel vm0, v7, v8  }
0x1ad: {  	s0 =	simm.s32 $0x2430;
	[tilespmem:s31+$0xFFFFFFD0] =	vst v7  }
0x1ae: {  	v7 =	vld [tilespmem:s0+$0xFFFFFFD0]  }
0x1af: {  	s21 =	simm.s32 $0xC90  }
0x1b0: {  	v8 =	vld [tilespmem:s21+$0xFFFFFFD0];
	_ =	sdelay $0x2  }
0x1b1: {  	v7 =	vnsel vm0, $0x0, v7  }
0x1b2: {  	[tilespmem:s0+$0xFFFFFFD0] =	vst v7  }
0x1b3: {  	v8 =	vshra.s32 v8, $0x5;
	v7 =	vld [tilespmem:s19+$0xFFFFFFE0]  }
0x1b4: {  	v8 =	vcvt.s32.f32 v8;
	_ =	sdelay $0x1  }
0x1b5: {  	v8 =	vmul.f32 $3.333333430e-01, v8;
	_ =	sdelay $0x1  }
0x1b6: {  	v8 =	vadd.f32 $1.000000010e-01, v8;
	v7 =	vshra.s32 v7, $0x5  }
0x1b7: {  	v7 =	vcvt.s32.f32 v7  }
0x1b8: {  	v8 =	vtrunc.f32 v8  }
0x1b9: {  	v8 =	vcvt.f32.s32 v8;
	v7 =	vmul.f32 $3.333333430e-01, v7;
	_ =	sdelay $0x1  }
0x1ba: {  	v8 =	vmul.u32 $0x60, v8;
	v7 =	vadd.f32 $1.000000010e-01, v7;
	_ =	sdelay $0x1  }
0x1bb: {  	v8 =	vadd.s32 v1, v8;
	v7 =	vtrunc.f32 v7  }
0x1bc: {  	vm0 =	vlt.u32 v8, $0x1B0000;
	v9 =	vand.u32 $0xFFFEF, v8;
	v7 =	vcvt.f32.s32 v7  }
0x1bd: {  	s5 =	simm.s32 $0x3C90;
	v8 =	vsel vm0, v8, v9  }
0x1be: {  	s2 =	simm.s32 $0x2490;
	[tilespmem:s5+$0xFFFFFFD0] =	vst v8;
	v7 =	vmul.u32 $0x60, v7  }
0x1bf: {  	v8 =	vld [tilespmem:s2+$0xFFFFFFD0]  }
0x1c0: {  	v7 =	vadd.s32 v2, v7  }
0x1c1: {  	s26 =	simm.s32 $0xCF0;
	vm1 =	vlt.u32 v7, $0x1B0000;
	v9 =	vand.u32 $0xFFFFF, v7  }
0x1c2: {  	v7 =	vsel vm1, v7, v9;
	v9 =	vld [tilespmem:s26+$0xFFFFFFD0]  }
0x1c3: {  	[tilespmem:s31+$0xFFFFFFE0] =	vst v7  }
0x1c4: {  	v8 =	vnsel vm0, $0x0, v8;
	v7 =	vld [tilespmem:s0+$0xFFFFFFE0]  }
0x1c5: {  	[tilespmem:s2+$0xFFFFFFD0] =	vst v8  }
0x1c6: {  	v8 =	vld [tilespmem:s21+$0xFFFFFFE0]  }
0x1c7: {  	v9 =	vshra.s32 v9, $0x5  }
0x1c8: {  	v9 =	vcvt.s32.f32 v9  }
0x1c9: {  	v7 =	vnsel vm1, $0x0, v7  }
0x1ca: {  	[tilespmem:s0+$0xFFFFFFE0] =	vst v7;
	v7 =	vmul.f32 $3.333333430e-01, v9  }
0x1cb: {  	v8 =	vshra.s32 v8, $0x5;
	v9 =	vld [tilespmem:s19+$0xFFFFFFF0]  }
0x1cc: {  	v8 =	vcvt.s32.f32 v8;
	v7 =	vadd.f32 $1.000000010e-01, v7;
	_ =	sdelay $0x1  }
0x1cd: {  	v8 =	vmul.f32 $3.333333430e-01, v8;
	v7 =	vtrunc.f32 v7  }
0x1ce: {  	v7 =	vcvt.f32.s32 v7  }
0x1cf: {  	v8 =	vadd.f32 $1.000000010e-01, v8;
	v9 =	vshra.s32 v9, $0x5  }
0x1d0: {  	v9 =	vcvt.s32.f32 v9;
	v7 =	vmul.u32 $0x60, v7  }
0x1d1: {  	v8 =	vtrunc.f32 v8  }
0x1d2: {  	v8 =	vcvt.f32.s32 v8;
	v9 =	vmul.f32 $3.333333430e-01, v9;
	v7 =	vadd.s32 v1, v7  }
0x1d3: {  	vm0 =	vlt.u32 v7, $0x1B0000;
	v10 =	vand.u32 $0xFFFEF, v7  }
0x1d4: {  	s23 =	simm.s32 $0x3CF0;
	v8 =	vmul.u32 $0x60, v8;
	v9 =	vadd.f32 $1.000000010e-01, v9;
	v7 =	vsel vm0, v7, v10  }
0x1d5: {  	s12 =	simm.s32 $0x24F0;
	[tilespmem:s23+$0xFFFFFFD0] =	vst v7  }
0x1d6: {  	s11 =	simm.s32 $0xD50;
	v8 =	vadd.s32 v2, v8;
	v7 =	vtrunc.f32 v9;
	v9 =	vld [tilespmem:s12+$0xFFFFFFD0]  }
0x1d7: {  	vm1 =	vlt.u32 v8, $0x1B0000;
	v11 =	vand.u32 $0xFFFFF, v8;
	v10 =	vld [tilespmem:s11+$0xFFFFFFD0];
	v7 =	vcvt.f32.s32 v7  }
0x1d8: {  	v8 =	vsel vm1, v8, v11  }
0x1d9: {  	[tilespmem:s5+$0xFFFFFFE0] =	vst v8;
	v7 =	vmul.u32 $0x60, v7  }
0x1da: {  	v8 =	vld [tilespmem:s2+$0xFFFFFFE0]  }
0x1db: {  	v7 =	vadd.s32 v3, v7;
	v9 =	vnsel vm0, $0x0, v9  }
0x1dc: {  	v10 =	vshra.s32 v10, $0x5;
	vm0 =	vlt.u32 v7, $0x1B0000;
	v11 =	vand.u32 $0xFFFEF, v7;
	[tilespmem:s12+$0xFFFFFFD0] =	vst v9  }
0x1dd: {  	v9 =	vcvt.s32.f32 v10;
	v7 =	vsel vm0, v7, v11;
	v10 =	vld [tilespmem:s26+$0xFFFFFFE0]  }
0x1de: {  	[tilespmem:s31+$0xFFFFFFF0] =	vst v7  }
0x1df: {  	v8 =	vnsel vm1, $0x0, v8;
	v9 =	vmul.f32 $3.333333430e-01, v9;
	v7 =	vld [tilespmem:s0+$0xFFFFFFF0]  }
0x1e0: {  	[tilespmem:s2+$0xFFFFFFE0] =	vst v8  }
0x1e1: {  	v8 =	vadd.f32 $1.000000010e-01, v9;
	v9 =	vld [tilespmem:s21+$0xFFFFFFF0]  }
0x1e2: {  	v10 =	vshra.s32 v10, $0x5  }
0x1e3: {  	v10 =	vcvt.s32.f32 v10  }
0x1e4: {  	v8 =	vtrunc.f32 v8;
	v7 =	vnsel vm0, $0x0, v7  }
0x1e5: {  	v8 =	vcvt.f32.s32 v8;
	[tilespmem:s0+$0xFFFFFFF0] =	vst v7;
	v7 =	vmul.f32 $3.333333430e-01, v10  }
0x1e6: {  	v9 =	vshra.s32 v9, $0x5;
	v10 =	vld [tilespmem:s19+$0x0]  }
0x1e7: {  	v8 =	vmul.u32 $0x60, v8;
	v9 =	vcvt.s32.f32 v9;
	v7 =	vadd.f32 $1.000000010e-01, v7;
	_ =	sdelay $0x1  }
0x1e8: {  	v8 =	vadd.s32 v1, v8;
	v9 =	vmul.f32 $3.333333430e-01, v9;
	v7 =	vtrunc.f32 v7  }
0x1e9: {  	vm0 =	vlt.u32 v8, $0x1B0000;
	v11 =	vand.u32 $0xFFFEF, v8;
	v7 =	vcvt.f32.s32 v7  }
0x1ea: {  	s13 =	simm.s32 $0xDB0;
	s6 =	simm.s32 $0x3D50;
	v8 =	vsel vm0, v8, v11;
	v9 =	vadd.f32 $1.000000010e-01, v9;
	v10 =	vshra.s32 v10, $0x5  }
0x1eb: {  	s1 =	simm.s32 $0x2550;
	v11 =	vld [tilespmem:s13+$0xFFFFFFD0];
	[tilespmem:s6+$0xFFFFFFD0] =	vst v8;
	v10 =	vcvt.s32.f32 v10;
	v7 =	vmul.u32 $0x60, v7  }
0x1ec: {  	v8 =	vld [tilespmem:s1+$0xFFFFFFD0];
	v9 =	vtrunc.f32 v9  }
0x1ed: {  	v9 =	vcvt.f32.s32 v9;
	v10 =	vmul.f32 $3.333333430e-01, v10;
	v7 =	vadd.s32 v2, v7  }
0x1ee: {  	vm1 =	vlt.u32 v7, $0x1B0000;
	v12 =	vand.u32 $0xFFFFF, v7  }
0x1ef: {  	v9 =	vmul.u32 $0x60, v9;
	v10 =	vadd.f32 $1.000000010e-01, v10;
	v7 =	vsel vm1, v7, v12  }
0x1f0: {  	v11 =	vshra.s32 v11, $0x5;
	[tilespmem:s23+$0xFFFFFFE0] =	vst v7  }
0x1f1: {  	v8 =	vnsel vm0, $0x0, v8;
	v9 =	vadd.s32 v3, v9;
	v7 =	vtrunc.f32 v10;
	v10 =	vld [tilespmem:s12+$0xFFFFFFE0]  }
0x1f2: {  	[tilespmem:s1+$0xFFFFFFD0] =	vst v8;
	vm0 =	vlt.u32 v9, $0x1B0000;
	v8 =	vand.u32 $0xFFFEF, v9;
	v7 =	vcvt.f32.s32 v7  }
0x1f3: {  	v11 =	vcvt.s32.f32 v11;
	v12 =	vld [tilespmem:s11+$0xFFFFFFE0];
	v8 =	vsel vm0, v9, v8  }
0x1f4: {  	[tilespmem:s5+$0xFFFFFFF0] =	vst v8;
	v7 =	vmul.u32 $0x60, v7  }
0x1f5: {  	v8 =	vmul.f32 $3.333333430e-01, v11;
	v9 =	vld [tilespmem:s2+$0xFFFFFFF0]  }
0x1f6: {  	v10 =	vnsel vm1, $0x0, v10;
	v7 =	vadd.s32 v4, v7  }
0x1f7: {  	v8 =	vadd.f32 $1.000000010e-01, v8;
	[tilespmem:s12+$0xFFFFFFE0] =	vst v10;
	vm1 =	vlt.u32 v7, $0x1B0000;
	v10 =	vand.u32 $0xFFFFF, v7  }
0x1f8: {  	v11 =	vld [tilespmem:s26+$0xFFFFFFF0];
	v7 =	vsel vm1, v7, v10;
	v10 =	vshra.s32 v12, $0x5  }
0x1f9: {  	[tilespmem:s31+$0x0] =	vst v7;
	v7 =	vtrunc.f32 v8;
	v8 =	vcvt.s32.f32 v10  }
0x1fa: {  	v9 =	vnsel vm0, $0x0, v9;
	v7 =	vcvt.f32.s32 v7  }
0x1fb: {  	v10 =	vld [tilespmem:s0+$0x0];
	[tilespmem:s2+$0xFFFFFFF0] =	vst v9;
	v8 =	vmul.f32 $3.333333430e-01, v8  }
0x1fc: {  	v9 =	vld [tilespmem:s21+$0x0];
	v7 =	vmul.u32 $0x60, v7  }
0x1fd: {  	v11 =	vshra.s32 v11, $0x5;
	v8 =	vadd.f32 $1.000000010e-01, v8  }
0x1fe: {  	v11 =	vcvt.s32.f32 v11;
	v7 =	vadd.s32 v1, v7  }
0x1ff: {  	vm0 =	vlt.u32 v7, $0x1B0000;
	v8 =	vtrunc.f32 v8  }
0x200: {  	v12 =	vand.u32 $0xFFFEF, v7;
	v8 =	vcvt.f32.s32 v8;
	v11 =	vmul.f32 $3.333333430e-01, v11  }
0x201: {  	s24 =	simm.s32 $0xE10;
	v10 =	vnsel vm1, $0x0, v10;
	v7 =	vsel vm0, v7, v12;
	v9 =	vshra.s32 v9, $0x5  }
0x202: {  	s10 =	simm.s32 $0x3DB0;
	[tilespmem:s0+$0x0] =	vst v10;
	v12 =	vld [tilespmem:s24+$0xFFFFFFD0];
	v9 =	vcvt.s32.f32 v9;
	v8 =	vmul.u32 $0x60, v8;
	v11 =	vadd.f32 $1.000000010e-01, v11  }
0x203: {  	s9 =	simm.s32 $0x25B0;
	v10 =	vld [tilespmem:s19+$0x10];
	[tilespmem:s10+$0xFFFFFFD0] =	vst v7  }
0x204: {  	v7 =	vld [tilespmem:s9+$0xFFFFFFD0];
	v9 =	vmul.f32 $3.333333430e-01, v9;
	v8 =	vadd.s32 v2, v8;
	v11 =	vtrunc.f32 v11  }
0x205: {  	vm1 =	vlt.u32 v8, $0x1B0000;
	v13 =	vand.u32 $0xFFFFF, v8;
	v11 =	vcvt.f32.s32 v11  }
0x206: {  	v9 =	vadd.f32 $1.000000010e-01, v9;
	v8 =	vsel vm1, v8, v13  }
0x207: {  	[tilespmem:s6+$0xFFFFFFE0] =	vst v8;
	v8 =	vmul.u32 $0x60, v11  }
0x208: {  	v12 =	vshra.s32 v12, $0x5;
	v10 =	vshra.s32 v10, $0x5;
	v9 =	vtrunc.f32 v9;
	v11 =	vld [tilespmem:s1+$0xFFFFFFE0]  }
0x209: {  	v7 =	vnsel vm0, $0x0, v7;
	v9 =	vcvt.f32.s32 v9;
	v8 =	vadd.s32 v3, v8  }
0x20a: {  	v10 =	vcvt.s32.f32 v10;
	[tilespmem:s9+$0xFFFFFFD0] =	vst v7;
	vm0 =	vlt.u32 v8, $0x1B0000;
	v7 =	vand.u32 $0xFFFEF, v8  }
0x20b: {  	v12 =	vcvt.s32.f32 v12;
	v13 =	vld [tilespmem:s13+$0xFFFFFFE0];
	v7 =	vsel vm0, v8, v7;
	v8 =	vmul.u32 $0x60, v9  }
0x20c: {  	[tilespmem:s23+$0xFFFFFFF0] =	vst v7;
	v7 =	vmul.f32 $3.333333430e-01, v10  }
0x20d: {  	v9 =	vmul.f32 $3.333333430e-01, v12;
	v10 =	vnsel vm1, $0x0, v11;
	v11 =	vld [tilespmem:s12+$0xFFFFFFF0];
	v8 =	vadd.s32 v4, v8  }
0x20e: {  	[tilespmem:s1+$0xFFFFFFE0] =	vst v10;
	vm1 =	vlt.u32 v8, $0x1B0000;
	v10 =	vand.u32 $0xFFFFF, v8;
	v7 =	vadd.f32 $1.000000010e-01, v7  }
0x20f: {  	v9 =	vadd.f32 $1.000000010e-01, v9;
	v12 =	vld [tilespmem:s11+$0xFFFFFFF0];
	v8 =	vsel vm1, v8, v10  }
0x210: {  	v10 =	vshra.s32 v13, $0x5;
	[tilespmem:s5+$0x0] =	vst v8;
	v7 =	vtrunc.f32 v7  }
0x211: {  	v8 =	vtrunc.f32 v9;
	v9 =	vcvt.s32.f32 v10;
	v10 =	vld [tilespmem:s2+$0x0]  }
0x212: {  	v8 =	vcvt.f32.s32 v8;
	v7 =	vcvt.f32.s32 v7;
	v11 =	vnsel vm0, $0x0, v11  }
0x213: {  	v9 =	vmul.f32 $3.333333430e-01, v9;
	[tilespmem:s12+$0xFFFFFFF0] =	vst v11  }
0x214: {  	v8 =	vmul.u32 $0x60, v8;
	v7 =	vmul.u32 $0x60, v7;
	v11 =	vshra.s32 v12, $0x5;
	v12 =	vld [tilespmem:s26+$0x0]  }
0x215: {  	v9 =	vadd.f32 $1.000000010e-01, v9;
	v11 =	vcvt.s32.f32 v11  }
0x216: {  	v8 =	vadd.s32 v1, v8;
	v7 =	vadd.s32 v5, v7;
	v10 =	vnsel vm1, $0x0, v10  }
0x217: {  	vm1 =	vlt.u32 v8, $0x1B0000;
	v13 =	vand.u32 $0xFFFEF, v8;
	v9 =	vtrunc.f32 v9  }
0x218: {  	vm0 =	vlt.u32 v7, $0x1B0000;
	v9 =	vcvt.f32.s32 v9;
	v11 =	vmul.f32 $3.333333430e-01, v11  }
0x219: {  	s25 =	simm.s32 $0x3E10;
	v8 =	vsel vm1, v8, v13;
	[tilespmem:s2+$0x0] =	vst v10;
	v10 =	vshra.s32 v12, $0x5;
	v12 =	vand.u32 $0xFFFEF, v7  }
0x21a: {  	s14 =	simm.s32 $0x2610;
	v13 =	vld [tilespmem:s21+$0x10];
	[tilespmem:s25+$0xFFFFFFD0] =	vst v8;
	v9 =	vmul.u32 $0x60, v9;
	v11 =	vadd.f32 $1.000000010e-01, v11;
	v10 =	vcvt.s32.f32 v10  }
0x21b: {  	v8 =	vld [tilespmem:s14+$0xFFFFFFD0];
	v7 =	vsel vm0, v7, v12  }
0x21c: {  	s15 =	simm.s32 $0xE70;
	v9 =	vadd.s32 v2, v9;
	v11 =	vtrunc.f32 v11;
	v10 =	vmul.f32 $3.333333430e-01, v10  }
0x21d: {  	v12 =	vld [tilespmem:s15+$0xFFFFFFD0];
	vm2 =	vlt.u32 v9, $0x1B0000;
	v14 =	vand.u32 $0xFFFFF, v9;
	v11 =	vcvt.f32.s32 v11  }
0x21e: {  	[tilespmem:s31+$0x10] =	vst v7;
	v7 =	vsel vm2, v9, v14;
	v9 =	vadd.f32 $1.000000010e-01, v10  }
0x21f: {  	v10 =	vshra.s32 v13, $0x5;
	v13 =	vld [tilespmem:s0+$0x10];
	[tilespmem:s10+$0xFFFFFFE0] =	vst v7;
	v7 =	vmul.u32 $0x60, v11  }
0x220: {  	v8 =	vnsel vm1, $0x0, v8;
	v11 =	vld [tilespmem:s9+$0xFFFFFFE0];
	v9 =	vtrunc.f32 v9  }
0x221: {  	v10 =	vcvt.s32.f32 v10;
	v7 =	vadd.s32 v3, v7;
	v9 =	vcvt.f32.s32 v9  }
0x222: {  	v12 =	vshra.s32 v12, $0x5;
	[tilespmem:s14+$0xFFFFFFD0] =	vst v8;
	vm1 =	vlt.u32 v7, $0x1B0000;
	v8 =	vand.u32 $0xFFFEF, v7  }
0x223: {  	v12 =	vcvt.s32.f32 v12;
	v14 =	vld [tilespmem:s24+$0xFFFFFFE0];
	v7 =	vsel vm1, v7, v8;
	v8 =	vmul.u32 $0x60, v9  }
0x224: {  	[tilespmem:s6+$0xFFFFFFF0] =	vst v7;
	v7 =	vmul.f32 $3.333333430e-01, v10;
	v9 =	vnsel vm0, $0x0, v13  }
0x225: {  	v10 =	vmul.f32 $3.333333430e-01, v12;
	v11 =	vnsel vm2, $0x0, v11;
	v12 =	vld [tilespmem:s1+$0xFFFFFFF0];
	v8 =	vadd.s32 v4, v8  }
0x226: {  	[tilespmem:s9+$0xFFFFFFE0] =	vst v11;
	v7 =	vadd.f32 $1.000000010e-01, v7;
	vm0 =	vlt.u32 v8, $0x1B0000;
	v11 =	vand.u32 $0xFFFFF, v8  }
0x227: {  	[tilespmem:s0+$0x10] =	vst v9;
	v9 =	vadd.f32 $1.000000010e-01, v10;
	v10 =	vld [tilespmem:s13+$0xFFFFFFF0];
	v8 =	vsel vm0, v8, v11  }
0x228: {  	v13 =	vshra.s32 v14, $0x5;
	v11 =	vld [tilespmem:s19+$0x20];
	v7 =	vtrunc.f32 v7;
	[tilespmem:s23+$0x0] =	vst v8  }
0x229: {  	v8 =	vtrunc.f32 v9;
	v9 =	vcvt.s32.f32 v13;
	v13 =	vld [tilespmem:s12+$0x0]  }
0x22a: {  	v7 =	vcvt.f32.s32 v7;
	v8 =	vcvt.f32.s32 v8;
	v12 =	vnsel vm1, $0x0, v12  }
0x22b: {  	v9 =	vmul.f32 $3.333333430e-01, v9;
	[tilespmem:s1+$0xFFFFFFF0] =	vst v12  }
0x22c: {  	v7 =	vmul.u32 $0x60, v7;
	v8 =	vmul.u32 $0x60, v8;
	v10 =	vshra.s32 v10, $0x5;
	v12 =	vld [tilespmem:s11+$0x0]  }
0x22d: {  	v11 =	vshra.s32 v11, $0x5;
	v9 =	vadd.f32 $1.000000010e-01, v9;
	v10 =	vcvt.s32.f32 v10  }
0x22e: {  	v7 =	vadd.s32 v5, v7;
	v8 =	vadd.s32 v1, v8;
	v13 =	vnsel vm0, $0x0, v13  }
0x22f: {  	vm1 =	vlt.u32 v8, $0x1B0000;
	v14 =	vand.u32 $0xFFFEF, v8;
	v9 =	vtrunc.f32 v9  }
0x230: {  	v10 =	vmul.f32 $3.333333430e-01, v10;
	vm0 =	vlt.u32 v7, $0x1B0000;
	v9 =	vcvt.f32.s32 v9  }
0x231: {  	v8 =	vsel vm1, v8, v14;
	[tilespmem:s12+$0x0] =	vst v13;
	v13 =	vand.u32 $0xFFFEF, v7;
	v12 =	vshra.s32 v12, $0x5  }
0x232: {  	s4 =	simm.s32 $0xED0;
	s22 =	simm.s32 $0x3E70;
	v14 =	vld [tilespmem:s26+$0x10];
	v10 =	vadd.f32 $1.000000010e-01, v10;
	v9 =	vmul.u32 $0x60, v9;
	v12 =	vcvt.s32.f32 v12  }
0x233: {  	s19 =	simm.s32 $0x2670;
	v11 =	vcvt.s32.f32 v11;
	[tilespmem:s22+$0xFFFFFFD0] =	vst v8;
	v7 =	vsel vm0, v7, v13;
	v13 =	vld [tilespmem:s4+$0xFFFFFFD0]  }
0x234: {  	v8 =	vld [tilespmem:s19+$0xFFFFFFD0];
	v10 =	vtrunc.f32 v10;
	v9 =	vadd.s32 v2, v9;
	v12 =	vmul.f32 $3.333333430e-01, v12  }
0x235: {  	v10 =	vcvt.f32.s32 v10;
	vm2 =	vlt.u32 v9, $0x1B0000;
	v15 =	vand.u32 $0xFFFFF, v9  }
0x236: {  	[tilespmem:s5+$0x10] =	vst v7;
	v7 =	vsel vm2, v9, v15;
	v9 =	vadd.f32 $1.000000010e-01, v12  }
0x237: {  	v11 =	vmul.f32 $3.333333430e-01, v11;
	v12 =	vshra.s32 v14, $0x5;
	v14 =	vld [tilespmem:s2+$0x10];
	[tilespmem:s25+$0xFFFFFFE0] =	vst v7;
	v7 =	vmul.u32 $0x60, v10  }
0x238: {  	v13 =	vshra.s32 v13, $0x5;
	v10 =	vcvt.s32.f32 v12;
	v12 =	vld [tilespmem:s14+$0xFFFFFFE0];
	v9 =	vtrunc.f32 v9  }
0x239: {  	v8 =	vnsel vm1, $0x0, v8;
	v7 =	vadd.s32 v3, v7;
	v9 =	vcvt.f32.s32 v9  }
0x23a: {  	v13 =	vcvt.s32.f32 v13;
	[tilespmem:s19+$0xFFFFFFD0] =	vst v8;
	vm1 =	vlt.u32 v7, $0x1B0000;
	v8 =	vand.u32 $0xFFFEF, v7  }
0x23b: {  	v15 =	vld [tilespmem:s15+$0xFFFFFFE0];
	v7 =	vsel vm1, v7, v8;
	v8 =	vmul.u32 $0x60, v9  }
0x23c: {  	v9 =	vadd.f32 $1.000000010e-01, v11;
	v11 =	vmul.f32 $3.333333430e-01, v13;
	[tilespmem:s10+$0xFFFFFFF0] =	vst v7;
	v7 =	vmul.f32 $3.333333430e-01, v10  }
0x23d: {  	v10 =	vnsel vm0, $0x0, v14;
	v12 =	vnsel vm2, $0x0, v12;
	v13 =	vld [tilespmem:s9+$0xFFFFFFF0];
	v8 =	vadd.s32 v4, v8  }
0x23e: {  	[tilespmem:s14+$0xFFFFFFE0] =	vst v12;
	vm0 =	vlt.u32 v8, $0x1B0000;
	v12 =	vand.u32 $0xFFFFF, v8;
	v7 =	vadd.f32 $1.000000010e-01, v7  }
0x23f: {  	[tilespmem:s2+$0x10] =	vst v10;
	v10 =	vadd.f32 $1.000000010e-01, v11;
	v11 =	vld [tilespmem:s24+$0xFFFFFFF0];
	v8 =	vsel vm0, v8, v12  }
0x240: {  	v9 =	vtrunc.f32 v9;
	v14 =	vshra.s32 v15, $0x5;
	v12 =	vld [tilespmem:s21+$0x20];
	[tilespmem:s6+$0x0] =	vst v8;
	v7 =	vtrunc.f32 v7  }
0x241: {  	v8 =	vtrunc.f32 v10;
	v10 =	vcvt.s32.f32 v14;
	v14 =	vld [tilespmem:s1+$0x0]  }
0x242: {  	v8 =	vcvt.f32.s32 v8;
	v7 =	vcvt.f32.s32 v7;
	v13 =	vnsel vm1, $0x0, v13  }
0x243: {  	v9 =	vcvt.f32.s32 v9;
	v10 =	vmul.f32 $3.333333430e-01, v10;
	[tilespmem:s9+$0xFFFFFFF0] =	vst v13  }
0x244: {  	v8 =	vmul.u32 $0x60, v8;
	v7 =	vmul.u32 $0x60, v7;
	v11 =	vshra.s32 v11, $0x5;
	v13 =	vld [tilespmem:s13+$0x0]  }
0x245: {  	v12 =	vshra.s32 v12, $0x5;
	v10 =	vadd.f32 $1.000000010e-01, v10;
	v11 =	vcvt.s32.f32 v11  }
0x246: {  	v8 =	vadd.s32 v1, v8;
	v7 =	vadd.s32 v5, v7;
	v14 =	vnsel vm0, $0x0, v14  }
0x247: {  	vm1 =	vlt.u32 v8, $0x1B0000;
	v15 =	vand.u32 $0xFFFEF, v8;
	v10 =	vtrunc.f32 v10  }
0x248: {  	vm0 =	vlt.u32 v7, $0x1B0000;
	v10 =	vcvt.f32.s32 v10;
	v11 =	vmul.f32 $3.333333430e-01, v11  }
0x249: {  	v8 =	vsel vm1, v8, v15;
	[tilespmem:s1+$0x0] =	vst v14;
	v14 =	vand.u32 $0xFFFEF, v7;
	v13 =	vshra.s32 v13, $0x5  }
0x24a: {  	s29 =	simm.s32 $0xF30;
	s17 =	simm.s32 $0x3ED0;
	v15 =	vld [tilespmem:s11+$0x10];
	v10 =	vmul.u32 $0x60, v10;
	v11 =	vadd.f32 $1.000000010e-01, v11;
	v13 =	vcvt.s32.f32 v13  }
0x24b: {  	s3 =	simm.s32 $0x26D0;
	v9 =	vmul.u32 $0x60, v9;
	v12 =	vcvt.s32.f32 v12;
	[tilespmem:s17+$0xFFFFFFD0] =	vst v8;
	v7 =	vsel vm0, v7, v14;
	v14 =	vld [tilespmem:s29+$0xFFFFFFD0]  }
0x24c: {  	v8 =	vld [tilespmem:s3+$0xFFFFFFD0];
	v10 =	vadd.s32 v2, v10;
	v11 =	vtrunc.f32 v11;
	v13 =	vmul.f32 $3.333333430e-01, v13  }
0x24d: {  	vm2 =	vlt.u32 v10, $0x1B0000;
	v16 =	vand.u32 $0xFFFFF, v10;
	v11 =	vcvt.f32.s32 v11  }
0x24e: {  	v12 =	vmul.f32 $3.333333430e-01, v12;
	[tilespmem:s23+$0x10] =	vst v7;
	v10 =	vsel vm2, v10, v16;
	v13 =	vadd.f32 $1.000000010e-01, v13  }
0x24f: {  	v7 =	vadd.s32 v6, v9;
	v9 =	vshra.s32 v15, $0x5;
	v15 =	vld [tilespmem:s12+$0x10];
	[tilespmem:s22+$0xFFFFFFE0] =	vst v10;
	v10 =	vmul.u32 $0x60, v11  }
0x250: {  	v14 =	vshra.s32 v14, $0x5;
	v11 =	vadd.f32 $1.000000010e-01, v12;
	v12 =	vld [tilespmem:s19+$0xFFFFFFE0];
	v13 =	vtrunc.f32 v13  }
0x251: {  	v8 =	vnsel vm1, $0x0, v8;
	v10 =	vadd.s32 v3, v10;
	v13 =	vcvt.f32.s32 v13  }
0x252: {  	v9 =	vcvt.s32.f32 v9;
	[tilespmem:s3+$0xFFFFFFD0] =	vst v8;
	vm1 =	vlt.u32 v10, $0x1B0000;
	v8 =	vand.u32 $0xFFFEF, v10  }
0x253: {  	v14 =	vcvt.s32.f32 v14;
	v16 =	vld [tilespmem:s4+$0xFFFFFFE0];
	v8 =	vsel vm1, v10, v8;
	v10 =	vmul.u32 $0x60, v13  }
0x254: {  	v11 =	vtrunc.f32 v11;
	[tilespmem:s25+$0xFFFFFFF0] =	vst v8;
	v8 =	vmul.f32 $3.333333430e-01, v9;
	v9 =	vnsel vm0, $0x0, v15  }
0x255: {  	v13 =	vmul.f32 $3.333333430e-01, v14;
	v12 =	vnsel vm2, $0x0, v12;
	v14 =	vld [tilespmem:s14+$0xFFFFFFF0];
	[tilespmem:s12+$0x10] =	vst v9;
	v10 =	vadd.s32 v4, v10  }
0x256: {  	[tilespmem:s19+$0xFFFFFFE0] =	vst v12;
	v8 =	vadd.f32 $1.000000010e-01, v8;
	v12 =	vld [tilespmem:s26+$0x20];
	vm2 =	vlt.u32 v10, $0x1B0000;
	v9 =	vand.u32 $0xFFFFF, v10  }
0x257: {  	v13 =	vadd.f32 $1.000000010e-01, v13;
	v15 =	vld [tilespmem:s15+$0xFFFFFFF0];
	v9 =	vsel vm2, v10, v9;
	v10 =	vcvt.f32.s32 v11  }
0x258: {  	vm0 =	vlt.u32 v7, $0x1B0000;
	v11 =	vshra.s32 v16, $0x5;
	v8 =	vtrunc.f32 v8;
	[tilespmem:s10+$0x0] =	vst v9  }
0x259: {  	v9 =	vtrunc.f32 v13;
	v11 =	vcvt.s32.f32 v11;
	v13 =	vld [tilespmem:s9+$0x0];
	v10 =	vmul.u32 $0x60, v10  }
0x25a: {  	v16 =	vcvt.f32.s32 v8;
	v9 =	vcvt.f32.s32 v9;
	v14 =	vnsel vm1, $0x0, v14  }
0x25b: {  	v11 =	vmul.f32 $3.333333430e-01, v11;
	[tilespmem:s14+$0xFFFFFFF0] =	vst v14;
	v12 =	vshra.s32 v12, $0x5;
	v8 =	vadd.s32 v6, v10  }
0x25c: {  	v10 =	vmul.u32 $0x60, v9;
	v9 =	vshra.s32 v15, $0x5;
	v14 =	vld [tilespmem:s24+$0x0];
	v15 =	vmul.u32 $0x60, v16  }
0x25d: {  	v11 =	vadd.f32 $1.000000010e-01, v11;
	v16 =	vcvt.s32.f32 v9;
	v9 =	vcvt.s32.f32 v12  }
0x25e: {  	v12 =	vadd.s32 v1, v10;
	v10 =	vadd.s32 v5, v15;
	v13 =	vnsel vm2, $0x0, v13  }
0x25f: {  	vm3 =	vlt.u32 v12, $0x1B0000;
	v15 =	vand.u32 $0xFFFEF, v12;
	v11 =	vtrunc.f32 v11  }
0x260: {  	v18 =	vmul.f32 $3.333333430e-01, v16;
	vm1 =	vlt.u32 v10, $0x1B0000;
	v17 =	vcvt.f32.s32 v11  }
0x261: {  	s30 =	simm.s32 $0xF90;
	s16 =	simm.s32 $0x3F30;
	v15 =	vsel vm3, v12, v15;
	[tilespmem:s9+$0x0] =	vst v13;
	v11 =	vand.u32 $0xFFFEF, v10;
	v13 =	vshra.s32 v14, $0x5  }
0x262: {  	s21 =	simm.s32 $0x300;
	s26 =	simm.s32 $0x2730;
	v12 =	vld [tilespmem:s13+$0x10];
	v14 =	vadd.f32 $1.000000010e-01, v18;
	v16 =	vmul.u32 $0x60, v17;
	v13 =	vcvt.s32.f32 v13  }
.LBB2_6:
0x263: {  	v10 =	vsel vm1, v10, v11  }
0x264: {  	s21 =	sadd.s32 $0x60, s21;
	[tilespmem:s16+$0xFFFFFFD0] =	vst v15;
	v9 =	vmul.f32 $3.333333430e-01, v9;
	v11 =	vand.u32 $0xFFFFF, v7;
	vm2 =	vmmov vm0  }
0x265: {  	p0 =	slt.u32 s21, $0xBA0;
	v15 =	vld [tilespmem:s26+$0xFFFFFFD0];
	v16 =	vadd.s32 v2, v16;
	v14 =	vtrunc.f32 v14;
	v13 =	vmul.f32 $3.333333430e-01, v13;
	[tilespmem:s6+$0x10] =	vst v10  }
0x266: {  	v10 =	vld [tilespmem:s30+$0xFFFFFFD0];
	vm4 =	vlt.u32 v16, $0x1B0000;
	v17 =	vand.u32 $0xFFFFF, v16;
	v14 =	vcvt.f32.s32 v14  }
0x267: {  	v12 =	vshra.s32 v12, $0x5;
	v16 =	vsel vm4, v16, v17;
	v13 =	vadd.f32 $1.000000010e-01, v13;
	v17 =	vld [tilespmem:s1+$0x10]  }
0x268: {  	v9 =	vadd.f32 $1.000000010e-01, v9;
	v12 =	vcvt.s32.f32 v12;
	[tilespmem:s17+$0xFFFFFFE0] =	vst v16;
	v14 =	vmul.u32 $0x60, v14  }
0x269: {  	vm0 =	vlt.u32 v8, $0x1B0000;
	v11 =	vsel vm2, v7, v11;
	v7 =	vmovc v8;
	v16 =	vld [tilespmem:s3+$0xFFFFFFE0];
	v13 =	vtrunc.f32 v13  }
0x26a: {  	v8 =	vnsel vm3, $0x0, v15;
	v14 =	vadd.s32 v3, v14;
	v13 =	vcvt.f32.s32 v13;
	[tilespmem:s31+$0x20] =	vst v11;
	s31 =	smov.u32 s5;
	s5 =	smov.u32 s23;
	s23 =	smov.u32 s6  }
0x26b: {  	s6 =	smov.u32 s10;
	s10 =	smov.u32 s25;
	s25 =	smov.u32 s22;
	v10 =	vshra.s32 v10, $0x5;
	[tilespmem:s26+$0xFFFFFFD0] =	vst v8;
	vm3 =	vlt.u32 v14, $0x1B0000;
	v8 =	vand.u32 $0xFFFEF, v14;
	v11 =	vld [tilespmem:s0+$0x20]  }
0x26c: {  	s22 =	smov.u32 s17;
	s17 =	smov.u32 s16;
	v10 =	vcvt.s32.f32 v10;
	v15 =	vld [tilespmem:s29+$0xFFFFFFE0];
	v8 =	vsel vm3, v14, v8;
	v13 =	vmul.u32 $0x60, v13  }
0x26d: {  	v9 =	vtrunc.f32 v9;
	[tilespmem:s25+$0xFFFFFFF0] =	vst v8;
	v8 =	vmul.f32 $3.333333430e-01, v12;
	v12 =	vnsel vm1, $0x0, v17  }
0x26e: {  	v10 =	vmul.f32 $3.333333430e-01, v10;
	v14 =	vnsel vm4, $0x0, v16;
	v16 =	vld [tilespmem:s19+$0xFFFFFFF0];
	v13 =	vadd.s32 v4, v13;
	[tilespmem:s1+$0x10] =	vst v12  }
0x26f: {  	[tilespmem:s3+$0xFFFFFFE0] =	vst v14;
	vm1 =	vlt.u32 v13, $0x1B0000;
	v12 =	vand.u32 $0xFFFFF, v13;
	v8 =	vadd.f32 $1.000000010e-01, v8;
	v14 =	vld [tilespmem:s11+$0x20];
	s11 =	smov.u32 s13;
	s13 =	smov.u32 s24;
	s24 =	smov.u32 s15  }
0x270: {  	v9 =	vcvt.f32.s32 v9;
	s15 =	smov.u32 s4;
	v10 =	vadd.f32 $1.000000010e-01, v10;
	v17 =	vld [tilespmem:s4+$0xFFFFFFF0];
	v12 =	vsel vm1, v13, v12;
	s4 =	smov.u32 s29;
	s29 =	smov.u32 s30  }
0x271: {  	v11 =	vnsel vm2, $0x0, v11;
	v13 =	vshra.s32 v15, $0x5;
	[tilespmem:s10+$0x0] =	vst v12;
	v8 =	vtrunc.f32 v8  }
0x272: {  	v9 =	vmul.u32 $0x60, v9;
	v10 =	vtrunc.f32 v10;
	v12 =	vcvt.s32.f32 v13;
	v13 =	vld [tilespmem:s14+$0x0];
	[tilespmem:s0+$0x20] =	vst v11;
	s0 =	smov.u32 s2;
	s2 =	smov.u32 s12;
	s12 =	smov.u32 s1  }
0x273: {  	v15 =	vcvt.f32.s32 v8;
	s1 =	smov.u32 s9;
	s9 =	smov.u32 s14;
	s14 =	smov.u32 s19;
	v10 =	vcvt.f32.s32 v10;
	v11 =	vnsel vm3, $0x0, v16  }
0x274: {  	v8 =	vadd.s32 v6, v9;
	s19 =	smov.u32 s3;
	s3 =	smov.u32 s26;
	v12 =	vmul.f32 $3.333333430e-01, v12;
	[tilespmem:s14+$0xFFFFFFF0] =	vst v11;
	v11 =	vshra.s32 v14, $0x5  }
0x275: {  	v15 =	vmul.u32 $0x60, v15;
	v10 =	vmul.u32 $0x60, v10;
	v9 =	vshra.s32 v17, $0x5;
	v14 =	vld [tilespmem:s24+$0x0]  }
0x276: {  	v12 =	vadd.f32 $1.000000010e-01, v12;
	v16 =	vcvt.s32.f32 v9;
	v9 =	vcvt.s32.f32 v11  }
.Ltmp1:
0x277: {  	s16 =	sadd.s32 $0x60, s16;
	v11 =	vadd.s32 v1, v10;
	v13 =	vnsel vm1, $0x0, v13;
	v10 =	vadd.s32 v5, v15;
	(pc) =	sbr.rel @p0 .LBB2_6-.Ltmp1, $4  }
0x278: {  	s26 =	sadd.s32 $0x60, s26;
	vm3 =	vlt.u32 v11, $0x1B0000;
	v15 =	vand.u32 $0xFFFEF, v11;
	v12 =	vtrunc.f32 v12;
	[tilespmem:s9+$0x0] =	vst v13  }
0x279: {  	v17 =	vmul.f32 $3.333333430e-01, v16;
	v15 =	vsel vm3, v11, v15;
	v13 =	vcvt.f32.s32 v12;
	v12 =	vld [tilespmem:s13+$0x10]  }
0x27a: {  	vm1 =	vlt.u32 v10, $0x1B0000;
	v11 =	vand.u32 $0xFFFEF, v10;
	v18 =	vshra.s32 v14, $0x5  }
0x27b: {  	s30 =	sadd.s32 $0x60, s30;
	v14 =	vadd.f32 $1.000000010e-01, v17;
	v16 =	vmul.u32 $0x60, v13;
	v13 =	vcvt.s32.f32 v18  }
0x27c: {  	[tilespmem:s16+$0xFFFFFFD0] =	vst v15  }
0x27d: {  	v15 =	vld [tilespmem:s26+$0xFFFFFFD0];
	_ =	sdelay $0x4  }
0x27e: {  	v15 =	vnsel vm3, $0x0, v15  }
0x27f: {  	[tilespmem:s26+$0xFFFFFFD0] =	vst v15  }
0x280: {  	v15 =	vld [tilespmem:s29+$0xFFFFFFE0];
	_ =	sdelay $0x4  }
0x281: {  	v15 =	vshra.s32 v15, $0x5  }
0x282: {  	v15 =	vcvt.s32.f32 v15;
	_ =	sdelay $0x1  }
0x283: {  	v15 =	vmul.f32 $3.333333430e-01, v15;
	_ =	sdelay $0x1  }
0x284: {  	v15 =	vadd.f32 $1.000000010e-01, v15;
	_ =	sdelay $0x1  }
0x285: {  	v15 =	vtrunc.f32 v15  }
0x286: {  	v15 =	vcvt.f32.s32 v15;
	_ =	sdelay $0x1  }
0x287: {  	v15 =	vmul.u32 $0x60, v15  }
0x288: {  	v16 =	vadd.s32 v2, v16  }
0x289: {  	vm2 =	vlt.u32 v16, $0x1B0000;
	v17 =	vand.u32 $0xFFFFF, v16;
	v15 =	vadd.s32 v2, v15  }
0x28a: {  	v16 =	vsel vm2, v16, v17;
	vm14 =	vlt.u32 v15, $0x1B0000;
	v46 =	vand.u32 $0xFFFFF, v15  }
0x28b: {  	[tilespmem:s17+$0xFFFFFFE0] =	vst v16;
	v15 =	vsel vm14, v15, v46  }
0x28c: {  	v16 =	vld [tilespmem:s3+$0xFFFFFFE0];
	[tilespmem:s16+$0xFFFFFFE0] =	vst v15  }
0x28d: {  	v15 =	vld [tilespmem:s26+$0xFFFFFFE0];
	_ =	sdelay $0x3  }
0x28e: {  	v16 =	vnsel vm2, $0x0, v16  }
0x28f: {  	[tilespmem:s3+$0xFFFFFFE0] =	vst v16;
	v15 =	vnsel vm14, $0x0, v15  }
0x290: {  	v16 =	vld [tilespmem:s4+$0xFFFFFFF0];
	[tilespmem:s26+$0xFFFFFFE0] =	vst v15  }
0x291: {  	v15 =	vld [tilespmem:s29+$0xFFFFFFF0];
	_ =	sdelay $0x1  }
0x292: {  	v14 =	vtrunc.f32 v14  }
0x293: {  	v14 =	vcvt.f32.s32 v14  }
0x294: {  	v16 =	vshra.s32 v16, $0x5  }
0x295: {  	v14 =	vmul.u32 $0x60, v14;
	v16 =	vcvt.s32.f32 v16;
	v15 =	vshra.s32 v15, $0x5  }
0x296: {  	v15 =	vcvt.s32.f32 v15  }
0x297: {  	v14 =	vadd.s32 v3, v14;
	v16 =	vmul.f32 $3.333333430e-01, v16  }
0x298: {  	vm15 =	vlt.u32 v14, $0x1B0000;
	v47 =	vand.u32 $0xFFFEF, v14;
	v15 =	vmul.f32 $3.333333430e-01, v15  }
0x299: {  	v14 =	vsel vm15, v14, v47;
	v16 =	vadd.f32 $1.000000010e-01, v16  }
0x29a: {  	[tilespmem:s22+$0xFFFFFFF0] =	vst v14;
	v15 =	vadd.f32 $1.000000010e-01, v15  }
0x29b: {  	v49 =	vld [tilespmem:s19+$0xFFFFFFF0];
	v16 =	vtrunc.f32 v16  }
0x29c: {  	v16 =	vcvt.f32.s32 v16;
	v15 =	vtrunc.f32 v15  }
0x29d: {  	v15 =	vcvt.f32.s32 v15  }
0x29e: {  	v16 =	vmul.u32 $0x60, v16  }
0x29f: {  	v15 =	vmul.u32 $0x60, v15  }
0x2a0: {  	v48 =	vadd.s32 v3, v16;
	v16 =	vnsel vm15, $0x0, v49  }
0x2a1: {  	vm8 =	vlt.u32 v48, $0x1B0000;
	v50 =	vand.u32 $0xFFFEF, v48;
	v15 =	vadd.s32 v3, v15  }
0x2a2: {  	[tilespmem:s19+$0xFFFFFFF0] =	vst v16;
	v14 =	vsel vm8, v48, v50;
	vm4 =	vlt.u32 v15, $0x1B0000;
	v51 =	vand.u32 $0xFFFEF, v15  }
0x2a3: {  	v16 =	vld [tilespmem:s15+$0x0];
	[tilespmem:s17+$0xFFFFFFF0] =	vst v14;
	v52 =	vsel vm4, v15, v51  }
0x2a4: {  	v53 =	vld [tilespmem:s3+$0xFFFFFFF0];
	[tilespmem:s16+$0xFFFFFFF0] =	vst v52  }
0x2a5: {  	v13 =	vmul.f32 $3.333333430e-01, v13;
	v14 =	vld [tilespmem:s26+$0xFFFFFFF0];
	_ =	sdelay $0x1  }
0x2a6: {  	v13 =	vadd.f32 $1.000000010e-01, v13;
	_ =	sdelay $0x1  }
0x2a7: {  	v13 =	vtrunc.f32 v13;
	v15 =	vnsel vm8, $0x0, v53  }
0x2a8: {  	v13 =	vcvt.f32.s32 v13;
	v16 =	vshra.s32 v16, $0x5;
	[tilespmem:s3+$0xFFFFFFF0] =	vst v15;
	v14 =	vnsel vm4, $0x0, v14  }
0x2a9: {  	v16 =	vcvt.s32.f32 v16;
	v15 =	vld [tilespmem:s4+$0x0];
	[tilespmem:s26+$0xFFFFFFF0] =	vst v14  }
0x2aa: {  	v13 =	vmul.u32 $0x60, v13;
	v14 =	vld [tilespmem:s29+$0x0]  }
0x2ab: {  	v16 =	vmul.f32 $3.333333430e-01, v16  }
0x2ac: {  	v13 =	vadd.s32 v4, v13  }
0x2ad: {  	vm9 =	vlt.u32 v13, $0x1B0000;
	v54 =	vand.u32 $0xFFFFF, v13;
	v16 =	vadd.f32 $1.000000010e-01, v16  }
0x2ae: {  	v13 =	vsel vm9, v13, v54;
	v15 =	vshra.s32 v15, $0x5  }
0x2af: {  	v16 =	vtrunc.f32 v16;
	v15 =	vcvt.s32.f32 v15;
	v14 =	vshra.s32 v14, $0x5  }
0x2b0: {  	[tilespmem:s25+$0x0] =	vst v13;
	v16 =	vcvt.f32.s32 v16;
	v14 =	vcvt.s32.f32 v14  }
0x2b1: {  	v56 =	vld [tilespmem:s14+$0x0];
	v55 =	vmul.f32 $3.333333430e-01, v15  }
0x2b2: {  	v16 =	vmul.u32 $0x60, v16;
	v14 =	vmul.f32 $3.333333430e-01, v14  }
0x2b3: {  	v13 =	vadd.f32 $1.000000010e-01, v55  }
0x2b4: {  	v16 =	vadd.s32 v4, v16;
	v14 =	vadd.f32 $1.000000010e-01, v14  }
0x2b5: {  	vm10 =	vlt.u32 v16, $0x1B0000;
	v57 =	vand.u32 $0xFFFFF, v16;
	v13 =	vtrunc.f32 v13  }
0x2b6: {  	v15 =	vnsel vm9, $0x0, v56;
	v13 =	vcvt.f32.s32 v13;
	v14 =	vtrunc.f32 v14  }
0x2b7: {  	[tilespmem:s14+$0x0] =	vst v15;
	v15 =	vsel vm10, v16, v57;
	v14 =	vcvt.f32.s32 v14  }
0x2b8: {  	[tilespmem:s22+$0x0] =	vst v15;
	v13 =	vmul.u32 $0x60, v13  }
0x2b9: {  	v15 =	vld [tilespmem:s19+$0x0];
	v14 =	vmul.u32 $0x60, v14  }
0x2ba: {  	v12 =	vshra.s32 v12, $0x5;
	v58 =	vld [tilespmem:s24+$0x10];
	v13 =	vadd.s32 v4, v13  }
0x2bb: {  	vm11 =	vlt.u32 v13, $0x1B0000;
	v59 =	vand.u32 $0xFFFFF, v13;
	v14 =	vadd.s32 v4, v14  }
0x2bc: {  	v13 =	vsel vm11, v13, v59;
	vm12 =	vlt.u32 v14, $0x1B0000;
	v60 =	vand.u32 $0xFFFFF, v14  }
0x2bd: {  	v12 =	vcvt.s32.f32 v12;
	[tilespmem:s17+$0x0] =	vst v13;
	v61 =	vsel vm12, v14, v60  }
0x2be: {  	v15 =	vnsel vm10, $0x0, v15;
	v63 =	vld [tilespmem:s3+$0x0];
	[tilespmem:s16+$0x0] =	vst v61  }
0x2bf: {  	v12 =	vmul.f32 $3.333333430e-01, v12;
	v62 =	vshra.s32 v58, $0x5;
	[tilespmem:s19+$0x0] =	vst v15;
	v20 =	vld [tilespmem:s26+$0x0]  }
0x2c0: {  	v19 =	vcvt.s32.f32 v62;
	v22 =	vld [tilespmem:s15+$0x10]  }
0x2c1: {  	v12 =	vadd.f32 $1.000000010e-01, v12  }
0x2c2: {  	v13 =	vmul.f32 $3.333333430e-01, v19  }
0x2c3: {  	v12 =	vtrunc.f32 v12;
	v24 =	vnsel vm11, $0x0, v63  }
0x2c4: {  	v21 =	vcvt.f32.s32 v12;
	v23 =	vadd.f32 $1.000000010e-01, v13;
	[tilespmem:s3+$0x0] =	vst v24;
	v26 =	vnsel vm12, $0x0, v20  }
0x2c5: {  	v10 =	vsel vm1, v10, v11;
	v12 =	vshra.s32 v22, $0x5;
	v27 =	vld [tilespmem:s4+$0x10];
	[tilespmem:s26+$0x0] =	vst v26  }
0x2c6: {  	[tilespmem:s6+$0x10] =	vst v10;
	v11 =	vmul.u32 $0x60, v21;
	v10 =	vtrunc.f32 v23;
	v12 =	vcvt.s32.f32 v12;
	v13 =	vld [tilespmem:s29+$0x10]  }
0x2c7: {  	v25 =	vld [tilespmem:s1+$0x10];
	v10 =	vcvt.f32.s32 v10  }
0x2c8: {  	v9 =	vmul.f32 $3.333333430e-01, v9;
	v11 =	vadd.s32 v5, v11;
	v12 =	vmul.f32 $3.333333430e-01, v12  }
0x2c9: {  	vm13 =	vlt.u32 v11, $0x1B0000;
	v28 =	vand.u32 $0xFFFEF, v11;
	v10 =	vmul.u32 $0x60, v10  }
0x2ca: {  	v11 =	vsel vm13, v11, v28;
	v12 =	vadd.f32 $1.000000010e-01, v12;
	v14 =	vshra.s32 v27, $0x5  }
0x2cb: {  	[tilespmem:s10+$0x10] =	vst v11;
	v10 =	vadd.s32 v5, v10;
	v14 =	vcvt.s32.f32 v14;
	v13 =	vshra.s32 v13, $0x5  }
0x2cc: {  	v31 =	vld [tilespmem:s9+$0x10];
	v15 =	vnsel vm1, $0x0, v25;
	vm14 =	vlt.u32 v10, $0x1B0000;
	v13 =	vcvt.s32.f32 v13  }
0x2cd: {  	v29 =	vand.u32 $0xFFFEF, v10;
	v12 =	vtrunc.f32 v12;
	v14 =	vmul.f32 $3.333333430e-01, v14  }
0x2ce: {  	[tilespmem:s1+$0x10] =	vst v15;
	v10 =	vsel vm14, v10, v29;
	v12 =	vcvt.f32.s32 v12;
	v13 =	vmul.f32 $3.333333430e-01, v13  }
0x2cf: {  	v30 =	vand.u32 $0xFFFFF, v7;
	v15 =	vld [tilespmem:s11+$0x20];
	[tilespmem:s25+$0x10] =	vst v10;
	v14 =	vadd.f32 $1.000000010e-01, v14  }
0x2d0: {  	vm0 =	vmmov vm0;
	v34 =	vld [tilespmem:s14+$0x10];
	v12 =	vmul.u32 $0x60, v12;
	v32 =	vadd.f32 $1.000000010e-01, v13  }
0x2d1: {  	v9 =	vadd.f32 $1.000000010e-01, v9;
	v11 =	vnsel vm13, $0x0, v31;
	v14 =	vtrunc.f32 v14  }
0x2d2: {  	v35 =	vadd.s32 v5, v12;
	v14 =	vcvt.f32.s32 v14;
	v10 =	vtrunc.f32 v32  }
0x2d3: {  	[tilespmem:s9+$0x10] =	vst v11;
	vm8 =	vlt.u32 v35, $0x1B0000;
	v37 =	vand.u32 $0xFFFEF, v35;
	v10 =	vcvt.f32.s32 v10  }
0x2d4: {  	v9 =	vtrunc.f32 v9;
	v36 =	vld [tilespmem:s13+$0x20];
	v11 =	vsel vm8, v35, v37;
	v14 =	vmul.u32 $0x60, v14  }
0x2d5: {  	v33 =	vshra.s32 v15, $0x5;
	v15 =	vnsel vm14, $0x0, v34;
	[tilespmem:s22+$0x10] =	vst v11;
	v10 =	vmul.u32 $0x60, v10  }
0x2d6: {  	v7 =	vsel vm0, v7, v30;
	v9 =	vcvt.f32.s32 v9;
	[tilespmem:s14+$0x10] =	vst v15;
	v39 =	vld [tilespmem:s19+$0x10];
	v38 =	vadd.s32 v5, v14  }
0x2d7: {  	[tilespmem:s31+$0x20] =	vst v7;
	v7 =	vld [tilespmem:s24+$0x20];
	vm9 =	vlt.u32 v38, $0x1B0000;
	v40 =	vand.u32 $0xFFFEF, v38;
	v10 =	vadd.s32 v5, v10  }
0x2d8: {  	v11 =	vsel vm9, v38, v40;
	vm10 =	vlt.u32 v10, $0x1B0000;
	v41 =	vand.u32 $0xFFFEF, v10  }
0x2d9: {  	v42 =	vld [tilespmem:s0+$0x20];
	v9 =	vmul.u32 $0x60, v9;
	v12 =	vshra.s32 v36, $0x5;
	[tilespmem:s17+$0x10] =	vst v11;
	v10 =	vsel vm10, v10, v41  }
0x2da: {  	v43 =	vand.u32 $0xFFFFF, v8;
	v12 =	vcvt.s32.f32 v12;
	v44 =	vld [tilespmem:s3+$0x10];
	[tilespmem:s16+$0x10] =	vst v10  }
0x2db: {  	v9 =	vadd.s32 v6, v9;
	v46 =	vnsel vm8, $0x0, v39;
	v13 =	vcvt.s32.f32 v33;
	v10 =	vld [tilespmem:s26+$0x10]  }
0x2dc: {  	vm15 =	vlt.u32 v8, $0x1B0000;
	v45 =	vmul.f32 $3.333333430e-01, v12;
	[tilespmem:s19+$0x10] =	vst v46;
	v7 =	vshra.s32 v7, $0x5  }
0x2dd: {  	vm2 =	vmmov vm15;
	v12 =	vld [tilespmem:s15+$0x20];
	v7 =	vcvt.s32.f32 v7;
	v13 =	vmul.f32 $3.333333430e-01, v13  }
0x2de: {  	v49 =	vand.u32 $0xFFFFF, v9;
	v8 =	vsel vm2, v8, v43;
	v11 =	vadd.f32 $1.000000010e-01, v45  }
0x2df: {  	[tilespmem:s5+$0x20] =	vst v8;
	v7 =	vmul.f32 $3.333333430e-01, v7;
	v13 =	vadd.f32 $1.000000010e-01, v13;
	v15 =	vnsel vm9, $0x0, v44  }
0x2e0: {  	v48 =	vnsel vm0, $0x0, v42;
	v47 =	vld [tilespmem:s2+$0x20];
	vm11 =	vlt.u32 v9, $0x1B0000;
	[tilespmem:s3+$0x10] =	vst v15;
	v10 =	vnsel vm10, $0x0, v10  }
0x2e1: {  	v11 =	vtrunc.f32 v11;
	v7 =	vadd.f32 $1.000000010e-01, v7;
	v8 =	vtrunc.f32 v13;
	v15 =	vld [tilespmem:s4+$0x20];
	[tilespmem:s26+$0x10] =	vst v10  }
0x2e2: {  	v11 =	vcvt.f32.s32 v11;
	v12 =	vshra.s32 v12, $0x5;
	v8 =	vcvt.f32.s32 v8;
	v10 =	vld [tilespmem:s29+$0x20]  }
0x2e3: {  	vm0 =	vmmov vm11;
	v12 =	vcvt.s32.f32 v12;
	v7 =	vtrunc.f32 v7  }
0x2e4: {  	v9 =	vsel vm0, v9, v49;
	v11 =	vmul.u32 $0x60, v11;
	v7 =	vcvt.f32.s32 v7  }
0x2e5: {  	v13 =	vnsel vm2, $0x0, v47;
	v8 =	vmul.u32 $0x60, v8;
	v12 =	vmul.f32 $3.333333430e-01, v12  }
0x2e6: {  	v11 =	vadd.s32 v6, v11;
	v7 =	vmul.u32 $0x60, v7;
	v15 =	vshra.s32 v15, $0x5  }
0x2e7: {  	v8 =	vadd.s32 v6, v8;
	v15 =	vcvt.s32.f32 v15;
	v10 =	vshra.s32 v10, $0x5  }
0x2e8: {  	v12 =	vadd.f32 $1.000000010e-01, v12;
	vm13 =	vlt.u32 v11, $0x1B0000;
	v10 =	vcvt.s32.f32 v10  }
0x2e9: {  	v51 =	vand.u32 $0xFFFFF, v11;
	vm12 =	vlt.u32 v8, $0x1B0000;
	v15 =	vmul.f32 $3.333333430e-01, v15  }
0x2ea: {  	v50 =	vand.u32 $0xFFFFF, v8;
	v7 =	vadd.s32 v6, v7;
	v10 =	vmul.f32 $3.333333430e-01, v10  }
0x2eb: {  	vm2 =	vmmov vm13;
	v12 =	vtrunc.f32 v12;
	v15 =	vadd.f32 $1.000000010e-01, v15  }
0x2ec: {  	vm1 =	vmmov vm12;
	v12 =	vcvt.f32.s32 v12;
	v10 =	vadd.f32 $1.000000010e-01, v10  }
0x2ed: {  	vm14 =	vlt.u32 v7, $0x1B0000;
	v11 =	vsel vm2, v11, v51;
	v15 =	vtrunc.f32 v15  }
0x2ee: {  	v12 =	vmul.u32 $0x60, v12;
	v15 =	vcvt.f32.s32 v15;
	v10 =	vtrunc.f32 v10  }
0x2ef: {  	[tilespmem:s0+$0x20] =	vst v48;
	v52 =	vand.u32 $0xFFFFF, v7;
	v8 =	vsel vm1, v8, v50;
	v10 =	vcvt.f32.s32 v10  }
0x2f0: {  	[tilespmem:s23+$0x20] =	vst v9;
	vm3 =	vmmov vm14;
	v12 =	vadd.s32 v6, v12;
	v53 =	vmul.u32 $0x60, v15  }
0x2f1: {  	[tilespmem:s2+$0x20] =	vst v13;
	v7 =	vsel vm3, v7, v52;
	vm15 =	vlt.u32 v12, $0x1B0000;
	v54 =	vmul.u32 $0x60, v10  }
0x2f2: {  	[tilespmem:s6+$0x20] =	vst v8;
	v8 =	vld [tilespmem:s12+$0x20];
	v56 =	vand.u32 $0xFFFFF, v12;
	vm4 =	vmmov vm15;
	v55 =	vadd.s32 v6, v53  }
0x2f3: {  	[tilespmem:s10+$0x20] =	vst v11;
	v57 =	vld [tilespmem:s1+$0x20];
	v12 =	vsel vm4, v12, v56;
	vm5 =	vlt.u32 v55, $0x1B0000;
	v9 =	vadd.s32 v6, v54  }
0x2f4: {  	[tilespmem:s25+$0x20] =	vst v7;
	v7 =	vld [tilespmem:s9+$0x20];
	v58 =	vand.u32 $0xFFFFF, v55;
	vm5 =	vmmov vm5;
	vm6 =	vlt.u32 v9, $0x1B0000  }
0x2f5: {  	v59 =	vld [tilespmem:s14+$0x20];
	[tilespmem:s22+$0x20] =	vst v12;
	v10 =	vsel vm5, v55, v58;
	v60 =	vand.u32 $0xFFFFF, v9;
	vm6 =	vmmov vm6  }
0x2f6: {  	v61 =	vld [tilespmem:s19+$0x20];
	[tilespmem:s17+$0x20] =	vst v10;
	v9 =	vsel vm6, v9, v60  }
0x2f7: {  	v8 =	vnsel vm0, $0x0, v8;
	v62 =	vld [tilespmem:s3+$0x20];
	[tilespmem:s16+$0x20] =	vst v9  }
0x2f8: {  	[tilespmem:s12+$0x20] =	vst v8;
	v8 =	vnsel vm1, $0x0, v57;
	v63 =	vld [tilespmem:s26+$0x20]  }
0x2f9: {  	s28 =	sadd.s32 $0x1, s28;
	v7 =	vnsel vm2, $0x0, v7;
	[tilespmem:s1+$0x20] =	vst v8  }
0x2fa: {  	p0 =	sne.s32 s28, $0x24;
	[tilespmem:s9+$0x20] =	vst v7;
	v7 =	vnsel vm3, $0x0, v59  }
.Ltmp2:
0x2fb: {  	[tilespmem:s14+$0x20] =	vst v7;
	v7 =	vnsel vm4, $0x0, v61;
	(pc) =	sbr.rel @p0 .LBB2_3-.Ltmp2, $4  }
0x2fc: {  	[tilespmem:s19+$0x20] =	vst v7;
	v7 =	vnsel vm5, $0x0, v62  }
0x2fd: {  	[tilespmem:s3+$0x20] =	vst v7;
	v7 =	vnsel vm6, $0x0, v63  }
0x2fe: {  	s31 =	simm.s32 $0x3C00;
	s5 =	simm.s32 $0x2400;
	s4 =	simm.s32 $0xC00;
	[tilespmem:s26+$0x20] =	vst v7  }
0x2ff: {  	[spmem:s8] =	stream.indirect.scatter.add.f32 [tilespmem:s5], [sflag:$0x3], $0x1, s31, s4, $0xb8;
	[tilespmem:$0x1F800] =	vst v63  }
0x300: {  	s2 =	simm.s32 $0x3  }
0x301: {  	s0 =	rddreg [dreg:$0xf];
	_ =	swait.ge [sflag:s2], $0xC00  }
0x302: {  	s0 =	smul.u32 $0xD80000, s0;
	[sflag:s2] =	ssyncset.done $0x0  }
0x303: {  	s1 =	rddreg [dreg:$0x4];
	[sflag:s2] =	ssyncadd.s32 $0xFFFFF400  }
0x304: {  	s25 =	rddreg [dreg:$0x10];
	s0 =	sadd.s32 s1, s0;
	[bflag:$0x0] =	sbarrier.arrive $0xFFFF  }
0x305: {  	s0 =	sadd.s32 s25, s0;
	s26 =	rddreg [dreg:$0x1]  }
0x306: {  	s0 =	sshrl.u32 s0, $0x3;
	s28 =	rddreg [dreg:$0x9]  }
0x307: {  	s3 =	simm.s32 $0x4;
	s29 =	rddreg [dreg:$0xc];
	s0 =	sadd.s32 s26, s0  }
0x308: {  	[hbm:s0], [sflag:s28] =	dma.local [spmem:s29], $0x3600  }
0x309: {  	_ =	swait.ge [sflag:s3], $0x3600  }
0x30a: {  	[sflag:s3] =	ssyncset.done $0x0  }
0x30b: {  	s30 =	rddreg [dreg:$0x8];
	[sflag:s3] =	ssyncadd.s32 $0xFFFFCA00  }
0x30c: {  	[spmem:s29], [sflag:s28] =	dma.local [hbm:s30], $0x3600  }
0x30d: {  	_ =	swait.ge [sflag:s3], $0x3600  }
0x30e: {  	s31 =	rddreg [dreg:$0xe]  }
0x30f: {  	s2 =	sadd.s32 $0x1, s31  }
0x310: {  	p0 =	sne.s32 s2, $0x10  }
.Ltmp3:
0x311: {  	_ = 	snop;
	(pc) =	sbr.rel @p0 .LBB2_2-.Ltmp3, $3  }
0x312: {  	[sflag:s3] =	ssyncset.done $0x0  }
0x313: {  	[sflag:s3] =	ssyncadd.s32 $0xFFFFCA00  }
0x314: {  	[bflag:$0x0] =	sbarrier.arrive $0xFFFF;
	_ =	sdelay $0x1  }
0x315: {  	s1 =	rddreg [dreg:$0xd]  }
0x316: {  	s0 =	rddreg [dreg:$0xb];
	s1 =	sadd.s32 $0x1, s1  }
0x317: {  	p0 =	sne.s32 s1, s0  }
.Ltmp4:
0x318: {  	_ = 	snop;
	(pc) =	sbr.rel @p0 .LBB2_1-.Ltmp4, $1  }
0x319: {  	_ =	sdelay $0x3  }
0x31a: {  	_ =	sfence.sel $0x180000  }
0x31b: {  	[bflag:$0x0] =	sbarrier.arrive $0xFFFF  }
0x31c: {  	_ =	strace $0x90000047  }
0x31d: {  	s0 =	stileid.u32;
	[bflag:$0x2] =	sbarrier.arrive $0xFFFF  }
0x31e: {  	p0 =	sne.s32 s0, $0x0;
	s0 =	rddreg [dreg:$0x3]  }
0x31f: {  	s0 =	sadd.s32 @!p0 $0x100000, s0  }
0x320: {  	[sflag:s0] =	ssyncadd.tile.s32 @!p0 $0x1;
	_ =	shalt  }
.Lfunc_end2:
_tile_overlayer_lowered:
.L_overlay_start_2:
0x321: {  	(tag) =	ssettag $0x2  }
0x322: {  	s0 =	rddreg [dreg:$0x0];
	s2 =	stileid.u32  }
0x323: {  	s1 =	rddreg [dreg:$0x1];
	p0 =	sne.s32 s2, $0x0  }
0x324: {  	s3 =	rddreg [dreg:$0x2];
	[bflag:$0x3] =	sbarrier.arrive $0xFFFF;
	s2 =	simm.s32 @!p0 $0x1C04  }
0x325: {  	[timem:s3], [sflag:s2] =	dma.local @!p0 [hbm:s0], s1  }
0x326: {  	s0 =	simm.s32 @!p0 $0x4  }
0x327: {  	_ =	swait.ge @!p0 [sflag:s0], s1  }
0x328: {  	s1 =	ssub.s32 @!p0 $0x0, s1;
	[sflag:s0] =	ssyncset.done @!p0 $0x0  }
0x329: {  	[sflag:s0] =	ssyncadd.s32 @!p0 s1  }
0x32a: {  	[bflag:$0x3] =	sbarrier.arrive $0xFFFF  }
0x32b: {  	_ =	shalt  }

// kernel: sparse-core-data-format-call.cloned.1.call-start
scs
called_computation_lowered:
.L_overlay_start_0:
0x0: {  	s2 =	sld [smem:$0x3FD9]  }
0x1: {  	s3 =	sld [smem:$0x3FFE];
	_ =	sdelay $0x1  }
0x2: {  	s1 =	srdreg.scid  }
0x3: {  	s0 =	sand.u32 $0x1, s1  }
0x4: {  	s18 =	sshll.u32 s0, $0xA;
	s2 =	sadd.s32 s3, s2  }
0x5: {  	s2 =	sadd.s32 s2, s18  }
0x6: {  	[smem:$0x3FC6] =	sst s2  }
0x7: {  	_ = 	snop  }
0x8: {  	s2 =	sld [smem:$0x3FD0];
	(tm) =	ssettm $0x1  }
0x9: {  	s19 =	sld [smem:$0x3FFB];
	_ =	sdelay $0x3  }
0xa: {  	_ =	strace s19  }
0xb: {  	s3 =	sld [smem:$0x3FFC];
	_ =	sdelay $0x3  }
0xc: {  	_ =	strace s3  }
0xd: {  	s3 =	sld [smem:$0x3FFD];
	_ =	sdelay $0x3  }
0xe: {  	_ =	strace s3  }
0xf: {  	_ =	strace $0x8FFFFFFF  }
0x10: {  	s20 =	sld [smem:$0x3FDB];
	_ =	sdelay $0x1  }
0x11: {  	s4 =	simm.s32 $_scs_section_size  }
0x12: {  	s5 =	simm.s32 $_size__tile_overlayer_lowered;
	s6 =	simm.s32 $_tile_overlayer_lowered  }
0x13: {  	s23 =	simm.s32 $0x1BFF;
	s22 =	sshll.u32 s6, $0x1;
	s3 =	sadd.s32 s4, s20  }
0x14: {  	s7 =	simm.s32 $0x0;
	s21 =	sshll.u32 s5, $0x1;
	s5 =	sadd.s32 s22, s3  }
0x15: {  	[timem:s7], [sflag:s23] =	dma.local [hbm:s5], s21  }
0x16: {  	_ =	swait.ge [sflag:s23], s21  }
0x17: {  	s4 =	ssub.s32 $0x0, s21;
	[sflag:s23] =	ssyncset.done $0x0  }
0x18: {  	[sflag:s23] =	ssyncadd.s32 s4;
	_ =	sdelay $0x1  }
0x19: {  	s24 =	simm.s32 $0x1B8B  }
0x1a: {  	_ =	swait.ge [sflag:s24], $0x1  }
0x1b: {  	[sflag:s24] =	ssyncset.done $0x0  }
0x1c: {  	s26 =	simm.s32 $0x1B8E;
	s25 =	sld [smem:$0x3FFE];
	[sflag:s24] =	ssyncadd.s32 $0xFFFFFFFF  }
0x1d: {  	s27 =	simm.s32 $execute0_lowered;
	[smem:$0x3FD2] =	sst s26  }
0x1e: {  	s5 =	sshll.u32 s27, $0x1;
	_ =	strace $0x80000049;
	[dreg:$0x1] =	wrdreg $0xFFFFFFFF  }
0x1f: {  	s28 =	simm.s32 $_size_execute0_lowered;
	s3 =	sadd.s32 s3, s5;
	[dreg:$0x0] =	wrdreg $0x0  }
0x20: {  	s5 =	sshll.u32 s28, $0x1;
	[dreg:$0x2] =	wrdreg s3  }
0x21: {  	[dreg:$0x3] =	wrdreg s5  }
0x22: {  	[dreg:$0x4] =	wrdreg $0xC0  }
0x23: {  	_ =	task [dreg:s7], $0x5FFFF  }
0x24: {  	[dreg:$0x1] =	wrdreg $0xFFFFFFFF  }
0x25: {  	[dreg:$0x0] =	wrdreg $0x60  }
0x26: {  	[dreg:$0x2] =	wrdreg s25  }
0x27: {  	[dreg:$0x3] =	wrdreg s2  }
0x28: {  	[dreg:$0x4] =	wrdreg $0x9  }
0x29: {  	_ =	task.clear_ibuf [dreg:s7], $0x5FFFF;
	_ =	strace $0x90000049  }
0x2a: {  	s29 =	simm.s32 $0x9;
	_ =	strace $0x8000004B  }
0x2b: {  	_ =	swait.ge [sflag:s29], $0x1  }
0x2c: {  	[sflag:s29] =	ssyncadd.s32 $0xFFFFFFFF  }
0x2d: {  	_ =	strace $0x9000004B  }
0x2e: {  	_ =	sfence  }
0x2f: {  	s30 =	sld [smem:$0x0];
	_ =	sdelay $0x2  }
0x30: {  	s31 =	sshll.u32 s1, $0xD;
	s1 =	sshrl.u32 s1, $0x2  }
0x31: {  	s3 =	sand.u32 $0x4000, s31;
	s1 =	sadd.s32 s1, s30  }
0x32: {  	s0 =	sor.u32 s3, s0;
	s1 =	sshll.u32 s1, $0x11  }
0x33: {  	s0 =	sor.u32 s1, s0  }
0x34: {  	s0 =	sadd.s32 $0x8F2B, s0  }
0x35: {  	[sflag:s0] =	ssyncadd.remote.s32 $0x1  }
0x36: {  	_ =	sfence.sel $0xFFFF  }
0x37: {  	[dreg:$0x0] =	wrdreg $0xFFFFFFFF;
	(pc) =	sbr.abs _section_cstart, $3  }
0x38: {  	[dreg:$0x1] =	wrdreg $0xFFFFFFFF  }
0x39: {  	_ =	task.clear_ibuf [dreg:s7], $0x2FFFF;
	_ =	strace $0x9FFFFFFF  }
0x3a: {  	(tm) =	ssettm $0x7FFFFFFF  }
0x3b: {  	_ =	shalt  }
tec
execute0_lowered:
.L_overlay_start_1:
0x0: {  	(tag) =	ssettag $0x1  }
0x1: {  	s3 =	rddreg [dreg:$0x0]  }
0x2: {  	s2 =	rddreg [dreg:$0x1]  }
0x3: {  	s1 =	srdreg.scid;
	s0 =	rddreg [dreg:$0x2];
	_ =	strace $0x8000004A  }
0x4: {  	s7 =	simm.s32 $0x2;
	s15 =	simm.s32 $0x0;
	p0 =	por $0x0, $0x0  }
0x5: {  	s16 =	simm.s32 $0x0;
	s17 =	simm.s32 $0x0;
	s8 =	simm.s32 $0x0  }
0x6: {  	s10 =	simm.s32 $0x0;
	s11 =	simm.s32 $0x0;
	s12 =	simm.s32 $0x0  }
.Ltmp0:
0x7: {  	s9 =	simm.s32 $0x0;
	s4 =	sshll.u32 s1, $0x4;
	(pc) =	sbr.rel .LBB1_1-.Ltmp0, $4  }
0x8: {  	s1 =	stileid.u32;
	s3 =	sadd.s32 $0x800, s3;
	s4 =	sand.u32 $0x10, s4  }
0x9: {  	s5 =	sand.u32 $0x3, s1;
	s6 =	sor.u32 s1, s4;
	s4 =	simm.s32 $0x1  }
0xa: {  	s14 =	smov.u32 s5;
	[sflag:s4] =	ssyncpa.u1 $0x0;
	s6 =	sshrl.u32 s6, $0x2  }
0xb: {  	[sflag:s7] =	ssyncpa.u1 $0x0;
	s7 =	simm.s32 $0xC00;
	s13 =	smov.u32 s6  }
.LBB1_5:
0xc: {  	p1 =	slt.u32 s9, $0x2;
	s18 =	smov.u32 s17  }
0xd: {  	p2 =	sgt.s32 @!p1 s17, $0x3;
	s19 =	sshra.s32 @!p1 s17, $0x1F;
	s20 =	sshra.s32 @!p1 s16, $0x1F  }
0xe: {  	p2 =	por !p2, p1;
	s17 =	sand.u32 @!p1 s19, s17;
	s19 =	smov.u32 s16  }
0xf: {  	s18 =	simm.s32 @p2 $0x3;
	p2 =	sgt.s32 @!p1 s16, $0x17F;
	s16 =	sand.u32 @!p1 s20, s16  }
0x10: {  	s20 =	sshra.s32 @!p1 s15, $0x1F;
	s17 =	ssub.s32 @!p1 s18, s17;
	p3 =	por !p2, p1  }
0x11: {  	s18 =	sadd.s32 @!p1 $0xFFFFFFFD, s17;
	s19 =	simm.s32 @p3 $0x17F;
	s17 =	ssub.s32 @!p1 $0x4, s17  }
0x12: {  	p3 =	sgt.s32 @!p1 s15, $0x100;
	p2 =	sgt.s32 @!p1 s18, $0x0;
	s16 =	ssub.s32 @!p1 s19, s16  }
0x13: {  	p3 =	por !p3, p1;
	s19 =	smov.u32 s15;
	s15 =	sand.u32 @!p1 s20, s15  }
0x14: {  	s17 =	smul.u32 @!p1 $0x60, s17;
	s18 =	sadd.s32 @!p1 $0xFFFFFE81, s16;
	s19 =	simm.s32 @p3 $0x100  }
0x15: {  	s16 =	ssub.s32 @!p1 $0x180, s16;
	p3 =	sgt.s32 @!p1 s18, $0x0;
	s15 =	ssub.s32 @!p1 s19, s15  }
0x16: {  	p2 =	por !p2, p1;
	p3 =	por !p3, p1;
	s18 =	sadd.s32 @!p1 $0xFFFFFF00, s15  }
0x17: {  	s17 =	simm.s32 @!p2 $0x0;
	s16 =	simm.s32 @!p3 $0x0;
	p3 =	sgt.s32 @!p1 s18, $0x7F  }
0x18: {  	s15 =	ssub.s32 @!p1 $0x180, s15;
	p2 =	por !p3, p1;
	s16 =	smul.u32 @!p1 s16, s17  }
0x19: {  	s19 =	smov.u32 s13;
	s18 =	sadd.s32 $0x80, s12;
	s15 =	simm.s32 @!p2 $0x0  }
0x1a: {  	p2 =	sgt.s32 s18, $0x17F;
	s15 =	smul.u32 @!p1 s15, s16;
	s16 =	sadd.s32 $0x8, s13  }
0x1b: {  	s19 =	smov.u32 @p2 s16  }
0x1c: {  	s21 =	smov.u32 s14;
	s16 =	sadd.s32 $0x4, s14;
	p3 =	sgt.s32 s19, $0x17F  }
0x1d: {  	s9 =	sadd.s32 $0x1, s9;
	p0 =	por !p0, !p0;
	s21 =	smov.u32 @p3 s16  }
0x1e: {  	s20 =	simm.s32 @!p1 $0x2;
	s18 =	simm.s32 @p2 $0x0;
	p2 =	sgt.s32 s21, $0x3  }
0x1f: {  	s17 =	smov.u32 s11;
	s21 =	smov.u32 @p2 s5;
	p2 =	sne.s32 s9, $0x92  }
.Ltmp1:
0x20: {  	s11 =	smov.u32 s14;
	s15 =	sand.u32 @!p1 $0x3FFFFFE0, s15;
	(pc) =	sbr.rel @!p2 .LBB1_6-.Ltmp1, $4  }
0x21: {  	_ =	swait.ge @!p1 [sflag:s20], s15;
	s22 =	ssub.s32 @!p1 $0x0, s15;
	s15 =	smov.u32 s8  }
0x22: {  	s16 =	smov.u32 s10;
	s19 =	smov.u32 @p3 s6;
	s8 =	smov.u32 s12  }
0x23: {  	s10 =	smov.u32 s13;
	s12 =	smov.u32 s18;
	[sflag:s20] =	ssyncset.done @!p1 $0x0  }
0x24: {  	s13 =	smov.u32 s19;
	[sflag:s20] =	ssyncadd.s32 @!p1 s22;
	s14 =	smov.u32 s21  }
.LBB1_1:
0x25: {  	p1 =	sgt.u32 s9, $0x8F  }
0x26: {  	s18 =	sand.u32 @!p1 $0x1FFFFFF, s12  }
0x27: {  	s19 =	smulhi.u32 @!p1 $0xAAAAAB, s18  }
0x28: {  	s20 =	smul.u32 @!p1 $0x240000, s14  }
0x29: {  	s19 =	smul.u32 @!p1 $0x180, s19  }
0x2a: {  	s21 =	smul.u32 @!p1 $0x1800, s13  }
0x2b: {  	s20 =	sadd.s32 @!p1 s3, s20;
	s18 =	ssub.s32 @!p1 s18, s19;
	s19 =	sxor.u32 @!p1 $0xFFFFFFFF, s9  }
0x2c: {  	s20 =	sadd.s32 @!p1 s21, s20;
	s19 =	sshll.u32 @!p1 s19, $0xE;
	s18 =	sshll.u32 @!p1 s18, $0x4  }
0x2d: {  	s19 =	sand.u32 @!p1 $0x4000, s19;
	s18 =	sadd.s32 @!p1 s18, s20;
	s20 =	simm.s32 @!p1 $0x0  }
0x2e: {  	[tilespmem:s19], [sflag:$0x1] =	stream.linear.gather @!p1 [hbm4b:s18+s20], $0x4000, $0x38;
	[tilespmem:$0x10100] =	vst v63  }
0x2f: {  	p1 =	seq.s32 s9, $0x0  }
0x30: {  	p2 =	seq.s32 @!p1 s9, $0x91  }
0x31: {  	p1 =	por p1, p2  }
.Ltmp2:
0x32: {  	_ = 	snop;
	(pc) =	sbr.rel @p1 .LBB1_5-.Ltmp2, $1  }
0x33: {  	_ =	sdelay $0x3  }
0x34: {  	s18 =	simm.s32 $0x1  }
0x35: {  	_ =	swait.ge [sflag:s4], $0x4000;
	s18 =	simm.s32 @!p0 $0x0  }
0x36: {  	[sflag:s4] =	ssyncset.done $0x0;
	s19 =	sshll.u32 s18, $0xE  }
0x37: {  	[sflag:s4] =	ssyncadd.s32 $0xFFFFC000;
	s19 =	sor.u32 $0x40, s19  }
0x38: {  	s18 =	smul.u32 $0x10200, s18;
	v0 =	vld [tilespmem:s19+$0x30]  }
0x39: {  	v1 =	vld [tilespmem:s19+$0xFFFFFFD0]  }
0x3a: {  	s18 =	sshrl.u32 s18, $0x2;
	v5 =	vld [tilespmem:s19+$0xFFFFFFE0]  }
0x3b: {  	v6 =	vld [tilespmem:s19+$0xFFFFFFF0];
	s21 =	sor.u32 $0x8000, s18  }
0x3c: {  	s31 =	sand.u32 $0x1, s9;
	v4 =	vld [tilespmem:s19+$0x0];
	s20 =	sadd.s32 $0x0, s21  }
0x3d: {  	v3 =	vld [tilespmem:s19+$0x10];
	s18 =	smul.u32 $0x10200, s31;
	[tilespmem:s20+$0x3870 ss:$0x81] =	vst.msk $0xffff, v0  }
0x3e: {  	v2 =	vld [tilespmem:s19+$0x20];
	[tilespmem:s20+$0x810 ss:$0x81] =	vst.msk $0xffff, v1  }
0x3f: {  	s18 =	sshrl.u32 s18, $0x2;
	v1 =	vld [tilespmem:s19+$0xFFFFFFC0];
	[tilespmem:s20+$0x1020 ss:$0x81] =	vst.msk $0xffff, v5;
	s19 =	sadd.s32 $0x80, s19  }
0x40: {  	s22 =	simm.s32 $0x4;
	s23 =	simm.s32 $0x8;
	s18 =	sor.u32 $0x8000, s18;
	[tilespmem:s20+$0x1830 ss:$0x81] =	vst.msk $0xffff, v6;
	v0 =	vld [tilespmem:s19+$0x30]  }
.LBB1_3:
0x41: {  	p1 =	sne.s32 s23, $0x1FC;
	v5 =	vld [tilespmem:s19+$0xFFFFFFD0];
	[tilespmem:s20+$0x2040 ss:$0x81] =	vst.msk $0xffff, v4  }
0x42: {  	v6 =	vld [tilespmem:s19+$0xFFFFFFE0];
	[tilespmem:s20+$0x2850 ss:$0x81] =	vst.msk $0xffff, v3  }
0x43: {  	s24 =	sshra.s32 s22, $0x2;
	s22 =	smov.u32 s23;
	v7 =	vld [tilespmem:s19+$0xFFFFFFF0];
	[tilespmem:s20+$0x3060 ss:$0x81] =	vst.msk $0xffff, v2  }
.Ltmp3:
0x44: {  	v4 =	vld [tilespmem:s19+$0x0];
	[tilespmem:s20+$0x0 ss:$0x81] =	vst.msk $0xffff, v1;
	s20 =	sadd.s32 s24, s21;
	(pc) =	sbr.rel @p1 .LBB1_3-.Ltmp3, $4  }
0x45: {  	v3 =	vld [tilespmem:s19+$0x10];
	[tilespmem:s20+$0x3870 ss:$0x81] =	vst.msk $0xffff, v0  }
0x46: {  	[tilespmem:s20+$0x810 ss:$0x81] =	vst.msk $0xffff, v5;
	v2 =	vld [tilespmem:s19+$0x20]  }
0x47: {  	v1 =	vld [tilespmem:s19+$0xFFFFFFC0];
	[tilespmem:s20+$0x1020 ss:$0x81] =	vst.msk $0xffff, v6;
	s19 =	sadd.s32 $0x80, s19  }
0x48: {  	s23 =	sadd.s32 $0x4, s23;
	v0 =	vld [tilespmem:s19+$0x30];
	[tilespmem:s20+$0x1830 ss:$0x81] =	vst.msk $0xffff, v7  }
0x49: {  	s23 =	sshll.u32 s8, $0x3  }
0x4a: {  	s24 =	sand.u32 $0x7F, s8;
	s22 =	sshra.s32 s22, $0x2;
	s23 =	sand.u32 $0xFFFFFC00, s23  }
0x4b: {  	p1 =	sgt.s32 s11, $0x3;
	s24 =	sor.u32 s24, s23;
	s23 =	smulhi.u32 $0xAAAAAAAB, s23  }
0x4c: {  	s26 =	sshra.s32 s11, $0x1F;
	s28 =	sshra.s32 s10, $0x1F;
	s25 =	smulhi.u32 $0xAAAAAAAB, s24  }
0x4d: {  	s21 =	sadd.s32 s22, s21;
	s26 =	sand.u32 s26, s11;
	s28 =	sand.u32 s28, s10  }
0x4e: {  	[tilespmem:s20+$0x2040 ss:$0x81] =	vst.msk $0xffff, v4;
	s23 =	sshrl.u32 s23, $0x8;
	s30 =	sshrl.u32 s25, $0x8;
	s25 =	smov.u32 s11  }
0x4f: {  	[tilespmem:s20+$0x2850 ss:$0x81] =	vst.msk $0xffff, v3;
	s27 =	smulhi.u32 $0x2AAAAAB, s23;
	s25 =	simm.s32 @!p1 $0x3;
	p1 =	sgt.s32 s10, $0x17F  }
0x50: {  	[tilespmem:s20+$0x3060 ss:$0x81] =	vst.msk $0xffff, v2;
	s22 =	smul.u32 $0x180, s30;
	s25 =	ssub.s32 s25, s26;
	s26 =	smov.u32 s10  }
0x51: {  	[tilespmem:s20+$0x0 ss:$0x81] =	vst.msk $0xffff, v1;
	s20 =	smov.u32 s8;
	s27 =	smul.u32 $0x60, s27;
	s26 =	simm.s32 @!p1 $0x17F  }
0x52: {  	v5 =	vld [tilespmem:s19+$0xFFFFFFD0];
	s31 =	sadd.s32 $0xFFFFFFFD, s25;
	s25 =	ssub.s32 $0x4, s25;
	s26 =	ssub.s32 s26, s28  }
0x53: {  	v58 =	vld [tilespmem:s19+$0xFFFFFFE0];
	s30 =	sshra.s32 s8, $0x1F;
	s25 =	smul.u32 $0x60, s25;
	s29 =	sadd.s32 $0xFFFFFE81, s26  }
0x54: {  	v59 =	vld [tilespmem:s19+$0xFFFFFFF0];
	p1 =	sgt.s32 s31, $0x0;
	s26 =	ssub.s32 $0x180, s26;
	p2 =	sgt.s32 s29, $0x0  }
0x55: {  	v60 =	vld [tilespmem:s19+$0x0];
	s25 =	simm.s32 @p1 $0x0;
	s26 =	simm.s32 @p2 $0x0;
	p2 =	sgt.s32 s8, $0x100  }
0x56: {  	v61 =	vld [tilespmem:s19+$0x10];
	[tilespmem:s21+$0x3870 ss:$0x81] =	vst.msk $0xffff, v0;
	s28 =	sand.u32 s30, s8;
	s20 =	simm.s32 @!p2 $0x100;
	s31 =	smul.u32 s26, s25  }
0x57: {  	v62 =	vld [tilespmem:s19+$0x20];
	[tilespmem:s21+$0x810 ss:$0x81] =	vst.msk $0xffff, v5;
	s25 =	ssub.s32 s23, s27;
	s27 =	smul.u32 $0x1B0000, s11;
	s20 =	ssub.s32 s20, s28  }
0x58: {  	v63 =	vld [tilespmem:s19+$0xFFFFFFC0];
	[tilespmem:s21+$0x1020 ss:$0x81] =	vst.msk $0xffff, v58;
	s22 =	ssub.s32 s24, s22;
	s28 =	smul.u32 $0x1200, s10;
	s26 =	sadd.s32 $0xFFFFFF00, s20  }
0x59: {  	[tilespmem:s21+$0x1830 ss:$0x81] =	vst.msk $0xffff, v59;
	s19 =	smul.u32 $0x30, s25;
	s20 =	ssub.s32 $0x180, s20;
	p1 =	sgt.s32 s26, $0x7F  }
.Ltmp4:
0x5a: {  	[tilespmem:s21+$0x2040 ss:$0x81] =	vst.msk $0xffff, v60;
	s25 =	sadd.s32 s2, s27;
	s20 =	simm.s32 @p1 $0x0;
	(pc) =	sbr.rel .LBB1_5-.Ltmp4, $4  }
0x5b: {  	[tilespmem:s21+$0x2850 ss:$0x81] =	vst.msk $0xffff, v61;
	s29 =	sand.u32 $0x7, s22;
	s23 =	sadd.s32 s28, s25;
	s20 =	smul.u32 s20, s31  }
0x5c: {  	[tilespmem:s21+$0x3060 ss:$0x81] =	vst.msk $0xffff, v62;
	s22 =	sshrl.u32 s22, $0x3;
	s30 =	sshll.u32 s29, $0x12;
	s19 =	sadd.s32 s19, s23  }
0x5d: {  	[tilespmem:s21+$0x0 ss:$0x81] =	vst.msk $0xffff, v63;
	s19 =	sadd.s32 s22, s19;
	s31 =	sor.u32 $0x400, s30;
	s20 =	sand.u32 $0x3FFFFFE0, s20  }
0x5e: {  	[hbm4b:s19+s31] =	stream.strided.scatter [tilespmem:s18], [sflag:$0x2], s20, s7, s31, $0x20;
	[tilespmem:$0x10100] =	vst v63  }
.LBB1_6:
0x5f: {  	_ =	sfence.sel $0x180000  }
0x60: {  	s2 =	simm.s32 $0x1;
	[bflag:$0x0] =	sbarrier.arrive $0xFFFF  }
0x61: {  	s31 =	simm.s32 $0x2;
	[sflag:s2] =	ssyncpa.u1 $0x1  }
0x62: {  	[sflag:s31] =	ssyncpa.u1 $0x1  }
0x63: {  	p0 =	sne.s32 s1, $0x0;
	_ =	strace $0x9000004A  }
0x64: {  	s0 =	sadd.s32 @!p0 $0x100000, s0;
	[bflag:$0x2] =	sbarrier.arrive $0xFFFF  }
0x65: {  	[sflag:s0] =	ssyncadd.tile.s32 @!p0 $0x1;
	_ =	shalt  }
.Lfunc_end1:
_tile_overlayer_lowered:
.L_overlay_start_2:
0x66: {  	(tag) =	ssettag $0x2  }
0x67: {  	s0 =	rddreg [dreg:$0x0];
	s2 =	stileid.u32  }
0x68: {  	s1 =	rddreg [dreg:$0x1];
	p0 =	sne.s32 s2, $0x0  }
0x69: {  	s3 =	rddreg [dreg:$0x2];
	[bflag:$0x3] =	sbarrier.arrive $0xFFFF;
	s2 =	simm.s32 @!p0 $0x1C01  }
0x6a: {  	[timem:s3], [sflag:s2] =	dma.local @!p0 [hbm:s0], s1  }
0x6b: {  	s0 =	simm.s32 @!p0 $0x1  }
0x6c: {  	_ =	swait.ge @!p0 [sflag:s0], s1  }
0x6d: {  	s1 =	ssub.s32 @!p0 $0x0, s1;
	[sflag:s0] =	ssyncset.done @!p0 $0x0  }
0x6e: {  	[sflag:s0] =	ssyncadd.s32 @!p0 s1  }
0x6f: {  	[bflag:$0x3] =	sbarrier.arrive $0xFFFF  }
0x70: {  	_ =	shalt  }

</sc_bundles>
